<compile_context>
chip_gen: v7x
topology: tpu7x:2x2x1
jax: 0.10.2.dev20260603
libtpu: 0.0.44.dev20260713+nightly
codegen_flags: <defaults>
</compile_context>

<pallas_src>
import functools

import jax
import jax.numpy as jnp
from jax import lax
from jax.experimental import pallas as pl
from jax.experimental.pallas import tpu as pltpu
from jax.experimental.pallas import tpu_sc as plsc

N_NODES = 10000
IN_DIM = 128
HIDDEN = 128
PROJ = 64
NUM_LAYERS = 4
NUM_GRAPHS = 64
N_EDGES = 320000

NC = 2
NS = 16
NW = NC * NS
CHUNK = 128
C_PER_W = 80
E_PAD = NW * C_PER_W * CHUNK
N_PAD = 10112
ROWS_PER_S = N_PAD // NS


@functools.lru_cache(maxsize=None)
def _make_sc_aggregate():
    mesh = plsc.VectorSubcoreMesh(
        core_axis_name="c", subcore_axis_name="s",
        num_cores=NC, num_subcores=NS)
    return pl.kernel(
        _sc_aggregate_body,
        out_type=jax.ShapeDtypeStruct((NC, N_PAD, HIDDEN), jnp.float32),
        mesh=mesh,
        scratch_types=[
            pltpu.VMEM((C_PER_W, CHUNK), jnp.int32),
            pltpu.VMEM((C_PER_W, CHUNK), jnp.int32),
            pltpu.VMEM((CHUNK, HIDDEN), jnp.float32),
            pltpu.VMEM_SHARED((N_PAD, HIDDEN), jnp.float32),
            pltpu.SemaphoreType.DMA,
            pltpu.SemaphoreType.DMA,
        ],
    )


def _sc_aggregate_body(src_hbm, dst_hbm, h_hbm, out_hbm, src_v, dst_v,
                       rows_v, agg_sh, sem0, semi):
    c = lax.axis_index("c")
    s = lax.axis_index("s")
    w = c * NS + s

    ld0 = pltpu.async_copy(src_hbm.at[w], src_v, semi)
    ld1 = pltpu.async_copy(dst_hbm.at[w], dst_v, semi)

    zero = jnp.zeros((16,), jnp.float32)

    def zrow(i, _):
        def zcol(j, _):
            rows_v[i, pl.ds(j * 16, 16)] = zero
            return 0
        return lax.fori_loop(0, HIDDEN // 16, zcol, 0)

    lax.fori_loop(0, CHUNK, zrow, 0)

    zbase = s * ROWS_PER_S
    zcopies = []
    for k in range(ROWS_PER_S // CHUNK):
        zcopies.append(pltpu.async_copy(
            rows_v, agg_sh.at[pl.ds(zbase + k * CHUNK, CHUNK)], sem0))
    rem = ROWS_PER_S - (ROWS_PER_S // CHUNK) * CHUNK
    zcopies.append(pltpu.async_copy(
        rows_v.at[pl.ds(0, rem)],
        agg_sh.at[pl.ds(zbase + ROWS_PER_S - rem, rem)], sem0))
    for zc in zcopies:
        zc.wait()
    ld0.wait()
    ld1.wait()
    plsc.subcore_barrier()

    def chunk_body(i, _):
        pltpu.async_copy(h_hbm.at[src_v.at[i]], rows_v, sem0).wait()
        pltpu.sync_copy(rows_v, agg_sh.at[dst_v.at[i]], add=True)
        return 0

    lax.fori_loop(0, C_PER_W, chunk_body, 0)
    plsc.subcore_barrier()

    obase = s * ROWS_PER_S
    pltpu.sync_copy(agg_sh.at[pl.ds(obase, ROWS_PER_S)],
                    out_hbm.at[c, pl.ds(obase, ROWS_PER_S)])


_MLP_BLK = 1000
_MLP_GRID = N_NODES // _MLP_BLK


def _mlp_body(relu_out, eps_ref, h_ref, a0_ref, a1_ref, w1_ref, b1_ref,
              w2_ref, b2_ref, o_ref):
    z = h_ref[:] * (1.0 + eps_ref[0, 0]) + a0_ref[0] + a1_ref[0]
    z = jnp.dot(z, w1_ref[:], preferred_element_type=jnp.float32) + b1_ref[:]
    z = jnp.maximum(z, 0.0)
    z = jnp.dot(z, w2_ref[:], preferred_element_type=jnp.float32) + b2_ref[:]
    if relu_out:
        z = jnp.maximum(z, 0.0)
    o_ref[:] = z


def _gin_mlp(h, agg2, w1, b1, w2, b2, eps_l, relu_out):
    return pl.pallas_call(
        functools.partial(_mlp_body, relu_out),
        grid=(_MLP_GRID,),
        in_specs=[
            pl.BlockSpec((1, 1), lambda i: (0, 0)),
            pl.BlockSpec((_MLP_BLK, HIDDEN), lambda i: (i, 0)),
            pl.BlockSpec((1, _MLP_BLK, HIDDEN), lambda i: (0, i, 0)),
            pl.BlockSpec((1, _MLP_BLK, HIDDEN), lambda i: (1, i, 0)),
            pl.BlockSpec((HIDDEN, HIDDEN), lambda i: (0, 0)),
            pl.BlockSpec((1, HIDDEN), lambda i: (0, 0)),
            pl.BlockSpec((HIDDEN, HIDDEN), lambda i: (0, 0)),
            pl.BlockSpec((1, HIDDEN), lambda i: (0, 0)),
        ],
        out_specs=pl.BlockSpec((_MLP_BLK, HIDDEN), lambda i: (i, 0)),
        out_shape=jax.ShapeDtypeStruct((N_NODES, HIDDEN), jnp.float32),
    )(eps_l, h, agg2, agg2, w1, b1.reshape(1, HIDDEN), w2,
      b2.reshape(1, HIDDEN))


def _mlp_pool_body(eps_ref, h_ref, a0_ref, a1_ref, w1_ref, b1_ref, w2_ref,
                   b2_ref, batch_ref, wp1_ref, bp1_ref, wp2_ref, bp2_ref,
                   o_ref, z_ref, acc_ref, cnt_ref):
    i = pl.program_id(0)
    z = h_ref[:] * (1.0 + eps_ref[0, 0]) + a0_ref[0] + a1_ref[0]
    z = jnp.dot(z, w1_ref[:], preferred_element_type=jnp.float32) + b1_ref[:]
    z = jnp.maximum(z, 0.0)
    z = jnp.dot(z, w2_ref[:], preferred_element_type=jnp.float32) + b2_ref[:]
    o_ref[:] = z

    b = batch_ref[0]
    gid = lax.broadcasted_iota(jnp.int32, (NUM_GRAPHS, _MLP_BLK), 0)
    p = (gid == b).astype(jnp.float32)
    sums = lax.dot_general(p, z, (((1,), (0,)), ((), ())),
                           preferred_element_type=jnp.float32)
    cnts = jnp.sum(p, axis=1, keepdims=True)

    @pl.when(i == 0)
    def _init():
        acc_ref[:] = sums
        cnt_ref[:] = cnts

    @pl.when(i > 0)
    def _accum():
        acc_ref[:] += sums
        cnt_ref[:] += cnts

    @pl.when(i == _MLP_GRID - 1)
    def _finish():
        zg = acc_ref[:] / jnp.maximum(cnt_ref[:], 1.0)
        z1 = jnp.dot(zg, wp1_ref[:], preferred_element_type=jnp.float32)
        z1 = jnp.maximum(z1 + bp1_ref[:], 0.0)
        z_ref[:] = (jnp.dot(z1, wp2_ref[:], preferred_element_type=jnp.float32)
                    + bp2_ref[:])


def _gin_mlp_pool(h, agg2, w1, b1, w2, b2, eps_l, batch_blk, wp1, bp1, wp2,
                  bp2):
    return pl.pallas_call(
        _mlp_pool_body,
        grid=(_MLP_GRID,),
        in_specs=[
            pl.BlockSpec((1, 1), lambda i: (0, 0)),
            pl.BlockSpec((_MLP_BLK, HIDDEN), lambda i: (i, 0)),
            pl.BlockSpec((1, _MLP_BLK, HIDDEN), lambda i: (0, i, 0)),
            pl.BlockSpec((1, _MLP_BLK, HIDDEN), lambda i: (1, i, 0)),
            pl.BlockSpec((HIDDEN, HIDDEN), lambda i: (0, 0)),
            pl.BlockSpec((1, HIDDEN), lambda i: (0, 0)),
            pl.BlockSpec((HIDDEN, HIDDEN), lambda i: (0, 0)),
            pl.BlockSpec((1, HIDDEN), lambda i: (0, 0)),
            pl.BlockSpec((1, 1, _MLP_BLK), lambda i: (i, 0, 0)),
            pl.BlockSpec((HIDDEN, HIDDEN), lambda i: (0, 0)),
            pl.BlockSpec((1, HIDDEN), lambda i: (0, 0)),
            pl.BlockSpec((HIDDEN, PROJ), lambda i: (0, 0)),
            pl.BlockSpec((1, PROJ), lambda i: (0, 0)),
        ],
        out_specs=[
            pl.BlockSpec((_MLP_BLK, HIDDEN), lambda i: (i, 0)),
            pl.BlockSpec((NUM_GRAPHS, PROJ), lambda i: (0, 0)),
        ],
        out_shape=[
            jax.ShapeDtypeStruct((N_NODES, HIDDEN), jnp.float32),
            jax.ShapeDtypeStruct((NUM_GRAPHS, PROJ), jnp.float32),
        ],
        scratch_shapes=[
            pltpu.VMEM((NUM_GRAPHS, HIDDEN), jnp.float32),
            pltpu.VMEM((NUM_GRAPHS, 1), jnp.float32),
        ],
    )(eps_l, h, agg2, agg2, w1, b1.reshape(1, HIDDEN), w2,
      b2.reshape(1, HIDDEN), batch_blk, wp1, bp1.reshape(1, HIDDEN), wp2,
      bp2.reshape(1, PROJ))


def kernel(x, edge_index, batch, W1, b1, W2, b2, eps, Wp1, bp1, Wp2, bp2):
    src = edge_index[0].astype(jnp.int32)
    dst = edge_index[1].astype(jnp.int32)
    pad = E_PAD - N_EDGES
    pad_src = (jnp.arange(pad, dtype=jnp.int32) * 7) % N_NODES
    pad_dst = N_NODES + (jnp.arange(pad, dtype=jnp.int32) % (N_PAD - N_NODES))
    src_p = jnp.concatenate([src, pad_src])
    dst_p = jnp.concatenate([dst, pad_dst.astype(jnp.int32)])
    src_p = src_p.reshape(NW, C_PER_W, CHUNK)
    dst_p = dst_p.reshape(NW, C_PER_W, CHUNK)

    h = x
    uts = []
    for l in range(NUM_LAYERS - 1):
        agg2 = _make_sc_aggregate()(src_p, dst_p, h)
        h = _gin_mlp(h, agg2, W1[l], b1[l], W2[l], b2[l],
                     eps[l].reshape(1, 1), relu_out=True)
        uts.append(h)

    ll = NUM_LAYERS - 1
    agg2 = _make_sc_aggregate()(src_p, dst_p, h)
    H, z_proj = _gin_mlp_pool(
        h, agg2, W1[ll], b1[ll], W2[ll], b2[ll], eps[ll].reshape(1, 1),
        batch.astype(jnp.int32).reshape(_MLP_GRID, 1, _MLP_BLK),
        Wp1, bp1, Wp2, bp2)
    uts.append(H)
    return (H, batch, z_proj) + tuple(uts)

# --- scband reference (transcript-rebuilt; emitter-appended) ---
"""Pipeline reference for scband-utscontrastive-model-29454885716559 (READ-ONLY COPY).

The authoritative reference and input builder live on the scoring server;
editing this copy changes nothing except your own understanding.
"""

import jax, jax.numpy as jnp
import numpy as np

N_NODES = 10000
N_EDGES = 320000
IN_DIM = 128
HIDDEN = 128
PROJ = 64
NUM_LAYERS = 4
NUM_GRAPHS = 64


def setup_inputs(seed: int = 0) -> dict:
    key = jax.random.key(seed)
    ks = jax.random.split(key, 12)
    x = jax.random.normal(ks[0], (N_NODES, IN_DIM), dtype=jnp.float32)
    edge_index = jax.random.randint(ks[1], (2, N_EDGES), 0, N_NODES, dtype=jnp.int64)
    batch = jnp.sort(jax.random.randint(ks[2], (N_NODES,), 0, NUM_GRAPHS, dtype=jnp.int64))
    # GIN layer MLP params, stacked over layers (in_dim == hidden_dim == 128)
    W1 = jax.random.normal(ks[3], (NUM_LAYERS, HIDDEN, HIDDEN), dtype=jnp.float32) * 0.05
    b1 = jnp.zeros((NUM_LAYERS, HIDDEN), dtype=jnp.float32)
    W2 = jax.random.normal(ks[4], (NUM_LAYERS, HIDDEN, HIDDEN), dtype=jnp.float32) * 0.05
    b2 = jnp.zeros((NUM_LAYERS, HIDDEN), dtype=jnp.float32)
    eps = jnp.zeros((NUM_LAYERS,), dtype=jnp.float32)
    # projection head
    Wp1 = jax.random.normal(ks[5], (HIDDEN, HIDDEN), dtype=jnp.float32) * 0.05
    bp1 = jnp.zeros((HIDDEN,), dtype=jnp.float32)
    Wp2 = jax.random.normal(ks[6], (HIDDEN, PROJ), dtype=jnp.float32) * 0.05
    bp2 = jnp.zeros((PROJ,), dtype=jnp.float32)
    return {"x": x, "edge_index": edge_index, "batch": batch,
            "W1": W1, "b1": b1, "W2": W2, "b2": b2, "eps": eps,
            "Wp1": Wp1, "bp1": bp1, "Wp2": Wp2, "bp2": bp2}


def reference(x, edge_index, batch, W1, b1, W2, b2, eps, Wp1, bp1, Wp2, bp2):
    # GIN encoder (dropout in eval mode -> identity), tracking per-layer node
    # representations as the UTS list.
    N = x.shape[0]
    src = edge_index[0]
    dst = edge_index[1]
    h = x
    uts_list = []
    for l in range(NUM_LAYERS):
        # message passing: sum aggregation of neighbor features (gather + scatter-add)
        msgs = jnp.take(h, src, axis=0)
        agg = jax.ops.segment_sum(msgs, dst, num_segments=N)
        z = (1.0 + eps[l]) * h + agg
        # GIN MLP: Linear -> ReLU -> Linear
        z = jnp.maximum(z @ W1[l] + b1[l], 0.0)
        h = z @ W2[l] + b2[l]
        if l < NUM_LAYERS - 1:
            h = jnp.maximum(h, 0.0)
        uts_list.append(h)
    H = h
    # global mean pool over graphs
    sums = jax.ops.segment_sum(H, batch, num_segments=NUM_GRAPHS)
    counts = jax.ops.segment_sum(jnp.ones((N,), dtype=H.dtype), batch, num_segments=NUM_GRAPHS)
    z_graph = sums / jnp.maximum(counts, 1.0)[:, None]
    # projection head
    z_proj = jnp.maximum(z_graph @ Wp1 + bp1, 0.0) @ Wp2 + bp2
    return (H, batch, z_proj) + tuple(uts_list)

if __name__ == "__main__":
    import jax
    _d = setup_inputs()
    print(jax.jit(kernel)(*tuple(_d.values())))

</pallas_src>

<mosaic_0001>
#map = affine_map<(d0, d1) -> (0, 0, 0)>
#map1 = affine_map<(d0, d1) -> (0, 0)>
module attributes {stable_mosaic.version = 14 : i64} {
  func.func @_sc_aggregate_body(%arg0: i32, %arg1: i32, %arg2: memref<32x80x128xi32, #tpu.memory_space<hbm>>, %arg3: memref<32x80x128xi32, #tpu.memory_space<hbm>>, %arg4: memref<10000x128xf32, #tpu.memory_space<hbm>>, %arg5: memref<2x10112x128xf32, #tpu.memory_space<hbm>>, %arg6: memref<80x128xi32, #tpu.memory_space<vmem>>, %arg7: memref<80x128xi32, #tpu.memory_space<vmem>>, %arg8: memref<128x128xf32, #tpu.memory_space<vmem>>, %arg9: memref<10112x128xf32, #tpu.memory_space<vmem_shared>>, %arg10: memref<!tpu.dma_semaphore, #tpu.memory_space<semaphore_mem>>, %arg11: memref<!tpu.dma_semaphore, #tpu.memory_space<semaphore_mem>>) attributes {dimension_semantics = [#tpu.dimension_semantics<core_parallel>, #tpu.dimension_semantics<subcore_parallel>], iteration_bounds = array<i64: 2, 16>, scalar_prefetch = 0 : i64, scratch_operands = 6 : i64, tpu.core_type = #tpu.core_type<sc_vector_subcore>, window_params = [{transform_indices = #map}, {transform_indices = #map}, {transform_indices = #map1}, {transform_indices = #map}]} {
    %mul3A = arith.constant 16 : i32
    %mul3A_0 = arith.muli %arg0, %mul3A : i32
    %add3A = arith.addi %mul3A_0, %arg1 : i32
    %dma_start3A = arith.constant 0 : i32
    %dma_start3A_1 = arith.constant 0 : i32
    %dma_start3A_2 = tpu.memref_slice %arg2[%add3A, %dma_start3A, %dma_start3A_1] : memref<32x80x128xi32, #tpu.memory_space<hbm>> -> memref<1x80x128xi32, #tpu.memory_space<hbm>>
    %dma_start3A_3 = tpu.memref_squeeze %dma_start3A_2 : memref<1x80x128xi32, #tpu.memory_space<hbm>> -> memref<80x128xi32, #tpu.memory_space<hbm>>
    %dma_start3A_4 = arith.constant 0 : i32
    %dma_start3A_5 = arith.constant 0 : i32
    %dma_start3A_6 = tpu.memref_slice %arg2[%add3A, %dma_start3A_4, %dma_start3A_5] : memref<32x80x128xi32, #tpu.memory_space<hbm>> -> memref<1x80x128xi32, #tpu.memory_space<hbm>>
    %dma_start3A_7 = tpu.memref_squeeze %dma_start3A_6 : memref<1x80x128xi32, #tpu.memory_space<hbm>> -> memref<80x128xi32, #tpu.memory_space<hbm>>
    tpu.enqueue_dma source(%dma_start3A_7 : memref<80x128xi32, #tpu.memory_space<hbm>>) target(%arg6 : memref<80x128xi32, #tpu.memory_space<vmem>>) target_semaphore(%arg11 : memref<!tpu.dma_semaphore, #tpu.memory_space<semaphore_mem>>)
    %dma_start3A_8 = arith.constant 0 : i32
    %dma_start3A_9 = arith.constant 0 : i32
    %dma_start3A_10 = tpu.memref_slice %arg3[%add3A, %dma_start3A_8, %dma_start3A_9] : memref<32x80x128xi32, #tpu.memory_space<hbm>> -> memref<1x80x128xi32, #tpu.memory_space<hbm>>
    %dma_start3A_11 = tpu.memref_squeeze %dma_start3A_10 : memref<1x80x128xi32, #tpu.memory_space<hbm>> -> memref<80x128xi32, #tpu.memory_space<hbm>>
    %dma_start3A_12 = arith.constant 0 : i32
    %dma_start3A_13 = arith.constant 0 : i32
    %dma_start3A_14 = tpu.memref_slice %arg3[%add3A, %dma_start3A_12, %dma_start3A_13] : memref<32x80x128xi32, #tpu.memory_space<hbm>> -> memref<1x80x128xi32, #tpu.memory_space<hbm>>
    %dma_start3A_15 = tpu.memref_squeeze %dma_start3A_14 : memref<1x80x128xi32, #tpu.memory_space<hbm>> -> memref<80x128xi32, #tpu.memory_space<hbm>>
    tpu.enqueue_dma source(%dma_start3A_15 : memref<80x128xi32, #tpu.memory_space<hbm>>) target(%arg7 : memref<80x128xi32, #tpu.memory_space<vmem>>) target_semaphore(%arg11 : memref<!tpu.dma_semaphore, #tpu.memory_space<semaphore_mem>>)
    %broadcast_in_dim3A = arith.constant 0.000000e+00 : f32
    %broadcast_in_dim3A_16 = vector.broadcast %broadcast_in_dim3A : f32 to vector<16xf32>
    %scan3A = arith.constant 0 : i32
    %scan3A_17 = arith.constant 0 : i32
    %scan3A_18 = arith.constant 128 : i32
    %scan3A_19 = arith.addi %scan3A_17, %scan3A_18 : i32
    %scan3A_20 = arith.constant 1 : i32
    %scan3A_21 = scf.for %scan3A_113 = %scan3A_17 to %scan3A_19 step %scan3A_20 iter_args(%scan3A_114 = %scan3A) -> (i32)  : i32 {
      %scan3A_115 = arith.constant 0 : i32
      %scan3A_116 = arith.constant 0 : i32
      %scan3A_117 = arith.constant 8 : i32
      %scan3A_118 = arith.addi %scan3A_116, %scan3A_117 : i32
      %scan3A_119 = arith.constant 1 : i32
      %scan3A_120 = scf.for %scan3A_122 = %scan3A_116 to %scan3A_118 step %scan3A_119 iter_args(%scan3A_123 = %scan3A_115) -> (i32)  : i32 {
        %mul3A_124 = arith.constant 16 : i32
        %mul3A_125 = arith.muli %scan3A_122, %mul3A_124 : i32
        %swap3A = arith.index_cast %scan3A_113 : i32 to index
        %swap3A_126 = arith.index_cast %mul3A_125 : i32 to index
        %swap3A_127 = tpu.vector_load %arg8[%swap3A, %swap3A_126] {strides = array<i32>} : memref<128x128xf32, #tpu.memory_space<vmem>>, vector<1x16xf32>,
        %swap3A_128 = vector.shape_cast %swap3A_127 : vector<1x16xf32> to vector<16xf32>
        %swap3A_129 = vector.shape_cast %broadcast_in_dim3A_16 : vector<16xf32> to vector<1x16xf32>
        tpu.vector_store %arg8[%swap3A, %swap3A_126], %swap3A_129 {strides = array<i32>} : memref<128x128xf32, #tpu.memory_space<vmem>>, vector<1x16xf32>,
        %scan3A_130 = arith.constant 0 : i32
        scf.yield %scan3A_130 : i32
      }
      %scan3A_121 = arith.constant 8 : i32
      scf.yield %scan3A_120 : i32
    }
    %scan3A_22 = arith.constant 128 : i32
    %mul3A_23 = arith.constant 632 : i32
    %mul3A_24 = arith.muli %arg1, %mul3A_23 : i32
    %add3A_25 = arith.constant 0 : i32
    %add3A_26 = arith.addi %mul3A_24, %add3A_25 : i32
    %dma_start3A_27 = arith.constant 0 : i32
    %dma_start3A_28 = tpu.memref_slice %arg9[%add3A_26, %dma_start3A_27] : memref<10112x128xf32, #tpu.memory_space<vmem_shared>> -> memref<128x128xf32, #tpu.memory_space<vmem_shared>>
    %dma_start3A_29 = arith.constant 0 : i32
    %dma_start3A_30 = tpu.memref_slice %arg9[%add3A_26, %dma_start3A_29] : memref<10112x128xf32, #tpu.memory_space<vmem_shared>> -> memref<128x128xf32, #tpu.memory_space<vmem_shared>>
    tpu.enqueue_dma source(%arg8 : memref<128x128xf32, #tpu.memory_space<vmem>>) target(%dma_start3A_30 : memref<128x128xf32, #tpu.memory_space<vmem_shared>>) target_semaphore(%arg10 : memref<!tpu.dma_semaphore, #tpu.memory_space<semaphore_mem>>)
    %add3A_31 = arith.constant 128 : i32
    %add3A_32 = arith.addi %mul3A_24, %add3A_31 : i32
    %dma_start3A_33 = arith.constant 0 : i32
    %dma_start3A_34 = tpu.memref_slice %arg9[%add3A_32, %dma_start3A_33] : memref<10112x128xf32, #tpu.memory_space<vmem_shared>> -> memref<128x128xf32, #tpu.memory_space<vmem_shared>>
    %dma_start3A_35 = arith.constant 0 : i32
    %dma_start3A_36 = tpu.memref_slice %arg9[%add3A_32, %dma_start3A_35] : memref<10112x128xf32, #tpu.memory_space<vmem_shared>> -> memref<128x128xf32, #tpu.memory_space<vmem_shared>>
    tpu.enqueue_dma source(%arg8 : memref<128x128xf32, #tpu.memory_space<vmem>>) target(%dma_start3A_36 : memref<128x128xf32, #tpu.memory_space<vmem_shared>>) target_semaphore(%arg10 : memref<!tpu.dma_semaphore, #tpu.memory_space<semaphore_mem>>)
    %add3A_37 = arith.constant 256 : i32
    %add3A_38 = arith.addi %mul3A_24, %add3A_37 : i32
    %dma_start3A_39 = arith.constant 0 : i32
    %dma_start3A_40 = tpu.memref_slice %arg9[%add3A_38, %dma_start3A_39] : memref<10112x128xf32, #tpu.memory_space<vmem_shared>> -> memref<128x128xf32, #tpu.memory_space<vmem_shared>>
    %dma_start3A_41 = arith.constant 0 : i32
    %dma_start3A_42 = tpu.memref_slice %arg9[%add3A_38, %dma_start3A_41] : memref<10112x128xf32, #tpu.memory_space<vmem_shared>> -> memref<128x128xf32, #tpu.memory_space<vmem_shared>>
    tpu.enqueue_dma source(%arg8 : memref<128x128xf32, #tpu.memory_space<vmem>>) target(%dma_start3A_42 : memref<128x128xf32, #tpu.memory_space<vmem_shared>>) target_semaphore(%arg10 : memref<!tpu.dma_semaphore, #tpu.memory_space<semaphore_mem>>)
    %add3A_43 = arith.constant 384 : i32
    %add3A_44 = arith.addi %mul3A_24, %add3A_43 : i32
    %dma_start3A_45 = arith.constant 0 : i32
    %dma_start3A_46 = tpu.memref_slice %arg9[%add3A_44, %dma_start3A_45] : memref<10112x128xf32, #tpu.memory_space<vmem_shared>> -> memref<128x128xf32, #tpu.memory_space<vmem_shared>>
    %dma_start3A_47 = arith.constant 0 : i32
    %dma_start3A_48 = tpu.memref_slice %arg9[%add3A_44, %dma_start3A_47] : memref<10112x128xf32, #tpu.memory_space<vmem_shared>> -> memref<128x128xf32, #tpu.memory_space<vmem_shared>>
    tpu.enqueue_dma source(%arg8 : memref<128x128xf32, #tpu.memory_space<vmem>>) target(%dma_start3A_48 : memref<128x128xf32, #tpu.memory_space<vmem_shared>>) target_semaphore(%arg10 : memref<!tpu.dma_semaphore, #tpu.memory_space<semaphore_mem>>)
    %add3A_49 = arith.constant 632 : i32
    %add3A_50 = arith.addi %mul3A_24, %add3A_49 : i32
    %sub3A = arith.constant 120 : i32
    %sub3A_51 = arith.subi %add3A_50, %sub3A : i32
    %dma_start3A_52 = arith.constant 0 : i32
    %dma_start3A_53 = arith.constant 0 : i32
    %dma_start3A_54 = tpu.memref_slice %arg8[%dma_start3A_52, %dma_start3A_53] : memref<128x128xf32, #tpu.memory_space<vmem>> -> memref<120x128xf32, #tpu.memory_space<vmem>>
    %dma_start3A_55 = arith.constant 0 : i32
    %dma_start3A_56 = tpu.memref_slice %arg9[%sub3A_51, %dma_start3A_55] : memref<10112x128xf32, #tpu.memory_space<vmem_shared>> -> memref<120x128xf32, #tpu.memory_space<vmem_shared>>
    %dma_start3A_57 = arith.constant 0 : i32
    %dma_start3A_58 = tpu.memref_slice %arg9[%sub3A_51, %dma_start3A_57] : memref<10112x128xf32, #tpu.memory_space<vmem_shared>> -> memref<120x128xf32, #tpu.memory_space<vmem_shared>>
    %dma_start3A_59 = arith.constant 0 : i32
    %dma_start3A_60 = arith.constant 0 : i32
    %dma_start3A_61 = tpu.memref_slice %arg8[%dma_start3A_59, %dma_start3A_60] : memref<128x128xf32, #tpu.memory_space<vmem>> -> memref<120x128xf32, #tpu.memory_space<vmem>>
    tpu.enqueue_dma source(%dma_start3A_61 : memref<120x128xf32, #tpu.memory_space<vmem>>) target(%dma_start3A_58 : memref<120x128xf32, #tpu.memory_space<vmem_shared>>) target_semaphore(%arg10 : memref<!tpu.dma_semaphore, #tpu.memory_space<semaphore_mem>>)
    %dma_wait3A = arith.constant 0 : i32
    %dma_wait3A_62 = tpu.memref_slice %arg9[%add3A_26, %dma_wait3A] : memref<10112x128xf32, #tpu.memory_space<vmem_shared>> -> memref<128x128xf32, #tpu.memory_space<vmem_shared>>
    %dma_wait3A_63 = arith.constant 0 : i32
    %dma_wait3A_64 = tpu.memref_slice %arg9[%add3A_26, %dma_wait3A_63] : memref<10112x128xf32, #tpu.memory_space<vmem_shared>> -> memref<128x128xf32, #tpu.memory_space<vmem_shared>>
    tpu.wait_dma2 semaphore(%arg10 : memref<!tpu.dma_semaphore, #tpu.memory_space<semaphore_mem>>) src(%arg8 : memref<128x128xf32, #tpu.memory_space<vmem>>) dst(%dma_wait3A_64 : memref<128x128xf32, #tpu.memory_space<vmem_shared>>)
    %dma_wait3A_65 = arith.constant 0 : i32
    %dma_wait3A_66 = tpu.memref_slice %arg9[%add3A_32, %dma_wait3A_65] : memref<10112x128xf32, #tpu.memory_space<vmem_shared>> -> memref<128x128xf32, #tpu.memory_space<vmem_shared>>
    %dma_wait3A_67 = arith.constant 0 : i32
    %dma_wait3A_68 = tpu.memref_slice %arg9[%add3A_32, %dma_wait3A_67] : memref<10112x128xf32, #tpu.memory_space<vmem_shared>> -> memref<128x128xf32, #tpu.memory_space<vmem_shared>>
    tpu.wait_dma2 semaphore(%arg10 : memref<!tpu.dma_semaphore, #tpu.memory_space<semaphore_mem>>) src(%arg8 : memref<128x128xf32, #tpu.memory_space<vmem>>) dst(%dma_wait3A_68 : memref<128x128xf32, #tpu.memory_space<vmem_shared>>)
    %dma_wait3A_69 = arith.constant 0 : i32
    %dma_wait3A_70 = tpu.memref_slice %arg9[%add3A_38, %dma_wait3A_69] : memref<10112x128xf32, #tpu.memory_space<vmem_shared>> -> memref<128x128xf32, #tpu.memory_space<vmem_shared>>
    %dma_wait3A_71 = arith.constant 0 : i32
    %dma_wait3A_72 = tpu.memref_slice %arg9[%add3A_38, %dma_wait3A_71] : memref<10112x128xf32, #tpu.memory_space<vmem_shared>> -> memref<128x128xf32, #tpu.memory_space<vmem_shared>>
    tpu.wait_dma2 semaphore(%arg10 : memref<!tpu.dma_semaphore, #tpu.memory_space<semaphore_mem>>) src(%arg8 : memref<128x128xf32, #tpu.memory_space<vmem>>) dst(%dma_wait3A_72 : memref<128x128xf32, #tpu.memory_space<vmem_shared>>)
    %dma_wait3A_73 = arith.constant 0 : i32
    %dma_wait3A_74 = tpu.memref_slice %arg9[%add3A_44, %dma_wait3A_73] : memref<10112x128xf32, #tpu.memory_space<vmem_shared>> -> memref<128x128xf32, #tpu.memory_space<vmem_shared>>
    %dma_wait3A_75 = arith.constant 0 : i32
    %dma_wait3A_76 = tpu.memref_slice %arg9[%add3A_44, %dma_wait3A_75] : memref<10112x128xf32, #tpu.memory_space<vmem_shared>> -> memref<128x128xf32, #tpu.memory_space<vmem_shared>>
    tpu.wait_dma2 semaphore(%arg10 : memref<!tpu.dma_semaphore, #tpu.memory_space<semaphore_mem>>) src(%arg8 : memref<128x128xf32, #tpu.memory_space<vmem>>) dst(%dma_wait3A_76 : memref<128x128xf32, #tpu.memory_space<vmem_shared>>)
    %dma_wait3A_77 = arith.constant 0 : i32
    %dma_wait3A_78 = arith.constant 0 : i32
    %dma_wait3A_79 = tpu.memref_slice %arg8[%dma_wait3A_77, %dma_wait3A_78] : memref<128x128xf32, #tpu.memory_space<vmem>> -> memref<120x128xf32, #tpu.memory_space<vmem>>
    %dma_wait3A_80 = arith.constant 0 : i32
    %dma_wait3A_81 = tpu.memref_slice %arg9[%sub3A_51, %dma_wait3A_80] : memref<10112x128xf32, #tpu.memory_space<vmem_shared>> -> memref<120x128xf32, #tpu.memory_space<vmem_shared>>
    %dma_wait3A_82 = arith.constant 0 : i32
    %dma_wait3A_83 = tpu.memref_slice %arg9[%sub3A_51, %dma_wait3A_82] : memref<10112x128xf32, #tpu.memory_space<vmem_shared>> -> memref<120x128xf32, #tpu.memory_space<vmem_shared>>
    %dma_wait3A_84 = arith.constant 0 : i32
    %dma_wait3A_85 = arith.constant 0 : i32
    %dma_wait3A_86 = tpu.memref_slice %arg8[%dma_wait3A_84, %dma_wait3A_85] : memref<128x128xf32, #tpu.memory_space<vmem>> -> memref<120x128xf32, #tpu.memory_space<vmem>>
    tpu.wait_dma2 semaphore(%arg10 : memref<!tpu.dma_semaphore, #tpu.memory_space<semaphore_mem>>) src(%dma_wait3A_86 : memref<120x128xf32, #tpu.memory_space<vmem>>) dst(%dma_wait3A_83 : memref<120x128xf32, #tpu.memory_space<vmem_shared>>)
    %dma_wait3A_87 = arith.constant 0 : i32
    %dma_wait3A_88 = arith.constant 0 : i32
    %dma_wait3A_89 = tpu.memref_slice %arg2[%add3A, %dma_wait3A_87, %dma_wait3A_88] : memref<32x80x128xi32, #tpu.memory_space<hbm>> -> memref<1x80x128xi32, #tpu.memory_space<hbm>>
    %dma_wait3A_90 = tpu.memref_squeeze %dma_wait3A_89 : memref<1x80x128xi32, #tpu.memory_space<hbm>> -> memref<80x128xi32, #tpu.memory_space<hbm>>
    %dma_wait3A_91 = arith.constant 0 : i32
    %dma_wait3A_92 = arith.constant 0 : i32
    %dma_wait3A_93 = tpu.memref_slice %arg2[%add3A, %dma_wait3A_91, %dma_wait3A_92] : memref<32x80x128xi32, #tpu.memory_space<hbm>> -> memref<1x80x128xi32, #tpu.memory_space<hbm>>
    %dma_wait3A_94 = tpu.memref_squeeze %dma_wait3A_93 : memref<1x80x128xi32, #tpu.memory_space<hbm>> -> memref<80x128xi32, #tpu.memory_space<hbm>>
    tpu.wait_dma2 semaphore(%arg11 : memref<!tpu.dma_semaphore, #tpu.memory_space<semaphore_mem>>) src(%dma_wait3A_94 : memref<80x128xi32, #tpu.memory_space<hbm>>) dst(%arg6 : memref<80x128xi32, #tpu.memory_space<vmem>>)
    %dma_wait3A_95 = arith.constant 0 : i32
    %dma_wait3A_96 = arith.constant 0 : i32
    %dma_wait3A_97 = tpu.memref_slice %arg3[%add3A, %dma_wait3A_95, %dma_wait3A_96] : memref<32x80x128xi32, #tpu.memory_space<hbm>> -> memref<1x80x128xi32, #tpu.memory_space<hbm>>
    %dma_wait3A_98 = tpu.memref_squeeze %dma_wait3A_97 : memref<1x80x128xi32, #tpu.memory_space<hbm>> -> memref<80x128xi32, #tpu.memory_space<hbm>>
    %dma_wait3A_99 = arith.constant 0 : i32
    %dma_wait3A_100 = arith.constant 0 : i32
    %dma_wait3A_101 = tpu.memref_slice %arg3[%add3A, %dma_wait3A_99, %dma_wait3A_100] : memref<32x80x128xi32, #tpu.memory_space<hbm>> -> memref<1x80x128xi32, #tpu.memory_space<hbm>>
    %dma_wait3A_102 = tpu.memref_squeeze %dma_wait3A_101 : memref<1x80x128xi32, #tpu.memory_space<hbm>> -> memref<80x128xi32, #tpu.memory_space<hbm>>
    tpu.wait_dma2 semaphore(%arg11 : memref<!tpu.dma_semaphore, #tpu.memory_space<semaphore_mem>>) src(%dma_wait3A_102 : memref<80x128xi32, #tpu.memory_space<hbm>>) dst(%arg7 : memref<80x128xi32, #tpu.memory_space<vmem>>)
    %barrier3A = arith.constant 0 : index
    tpu.barrier barrier_id(%barrier3A)
    %scan3A_103 = arith.constant 0 : i32
    %scan3A_104 = arith.constant 0 : i32
    %scan3A_105 = arith.constant 80 : i32
    %scan3A_106 = arith.addi %scan3A_104, %scan3A_105 : i32
    %scan3A_107 = arith.constant 1 : i32
    %scan3A_108 = scf.for %scan3A_113 = %scan3A_104 to %scan3A_106 step %scan3A_107 iter_args(%scan3A_114 = %scan3A_103) -> (i32)  : i32 {
      %dma_start3A_115 = arith.constant 0 : i32
      %dma_start3A_116 = tpu.memref_slice %arg6[%scan3A_113, %dma_start3A_115] : memref<80x128xi32, #tpu.memory_space<vmem>> -> memref<1x128xi32, #tpu.memory_space<vmem>>
      %dma_start3A_117 = tpu.memref_squeeze %dma_start3A_116 : memref<1x128xi32, #tpu.memory_space<vmem>> -> memref<128xi32, #tpu.memory_space<vmem>>
      %dma_start3A_118 = arith.constant 0 : i32
      %dma_start3A_119 = arith.constant 0 : i32
      %dma_start3A_120 = tpu.memref_slice %arg4[%dma_start3A_118, %dma_start3A_119] : memref<10000x128xf32, #tpu.memory_space<hbm>> -> memref<10000x128xf32, #tpu.memory_space<hbm>>
      tpu.enqueue_indirect_dma source(%dma_start3A_120 : memref<10000x128xf32, #tpu.memory_space<hbm>>) target(%arg8 : memref<128x128xf32, #tpu.memory_space<vmem>>) offsets(%dma_start3A_117 : memref<128xi32, #tpu.memory_space<vmem>>) semaphore(%arg10 : memref<!tpu.dma_semaphore, #tpu.memory_space<semaphore_mem>>)
      %dma_wait3A_121 = arith.constant 0 : i32
      %dma_wait3A_122 = tpu.memref_slice %arg6[%scan3A_113, %dma_wait3A_121] : memref<80x128xi32, #tpu.memory_space<vmem>> -> memref<1x128xi32, #tpu.memory_space<vmem>>
      %dma_wait3A_123 = tpu.memref_squeeze %dma_wait3A_122 : memref<1x128xi32, #tpu.memory_space<vmem>> -> memref<128xi32, #tpu.memory_space<vmem>>
      %dma_wait3A_124 = arith.constant 0 : i32
      %dma_wait3A_125 = arith.constant 0 : i32
      %dma_wait3A_126 = tpu.memref_slice %arg4[%dma_wait3A_124, %dma_wait3A_125] : memref<10000x128xf32, #tpu.memory_space<hbm>> -> memref<10000x128xf32, #tpu.memory_space<hbm>>
      tpu.wait_indirect_dma semaphore(%arg10 : memref<!tpu.dma_semaphore, #tpu.memory_space<semaphore_mem>>) src(%dma_wait3A_126 : memref<10000x128xf32, #tpu.memory_space<hbm>>) dst(%arg8 : memref<128x128xf32, #tpu.memory_space<vmem>>)
      "tpu.region"() ({
        %run_scoped3A = tpu.sem_alloc : memref<!tpu.dma_semaphore, #tpu.memory_space<semaphore_mem>>
        %dma_start3A_128 = arith.constant 0 : i32
        %dma_start3A_129 = tpu.memref_slice %arg7[%scan3A_113, %dma_start3A_128] : memref<80x128xi32, #tpu.memory_space<vmem>> -> memref<1x128xi32, #tpu.memory_space<vmem>>
        %dma_start3A_130 = tpu.memref_squeeze %dma_start3A_129 : memref<1x128xi32, #tpu.memory_space<vmem>> -> memref<128xi32, #tpu.memory_space<vmem>>
        %dma_start3A_131 = arith.constant 0 : i32
        %dma_start3A_132 = arith.constant 0 : i32
        %dma_start3A_133 = tpu.memref_slice %arg9[%dma_start3A_131, %dma_start3A_132] : memref<10112x128xf32, #tpu.memory_space<vmem_shared>> -> memref<10112x128xf32, #tpu.memory_space<vmem_shared>>
        tpu.enqueue_indirect_dma source(%arg8 : memref<128x128xf32, #tpu.memory_space<vmem>>) target(%dma_start3A_133 : memref<10112x128xf32, #tpu.memory_space<vmem_shared>>) offsets(%dma_start3A_130 : memref<128xi32, #tpu.memory_space<vmem>>) semaphore(%run_scoped3A : memref<!tpu.dma_semaphore, #tpu.memory_space<semaphore_mem>>) {add = true}
        %dma_wait3A_134 = arith.constant 0 : i32
        %dma_wait3A_135 = tpu.memref_slice %arg7[%scan3A_113, %dma_wait3A_134] : memref<80x128xi32, #tpu.memory_space<vmem>> -> memref<1x128xi32, #tpu.memory_space<vmem>>
        %dma_wait3A_136 = tpu.memref_squeeze %dma_wait3A_135 : memref<1x128xi32, #tpu.memory_space<vmem>> -> memref<128xi32, #tpu.memory_space<vmem>>
        %dma_wait3A_137 = arith.constant 0 : i32
        %dma_wait3A_138 = arith.constant 0 : i32
        %dma_wait3A_139 = tpu.memref_slice %arg9[%dma_wait3A_137, %dma_wait3A_138] : memref<10112x128xf32, #tpu.memory_space<vmem_shared>> -> memref<10112x128xf32, #tpu.memory_space<vmem_shared>>
        tpu.wait_indirect_dma semaphore(%run_scoped3A : memref<!tpu.dma_semaphore, #tpu.memory_space<semaphore_mem>>) src(%arg8 : memref<128x128xf32, #tpu.memory_space<vmem>>) dst(%dma_wait3A_139 : memref<10112x128xf32, #tpu.memory_space<vmem_shared>>)
        tpu.yield
      }) : () -> ()
      %scan3A_127 = arith.constant 0 : i32
      scf.yield %scan3A_127 : i32
    }
    %scan3A_109 = arith.constant 80 : i32
    %barrier3A_110 = arith.constant 0 : index
    tpu.barrier barrier_id(%barrier3A_110)
    %mul3A_111 = arith.constant 632 : i32
    %mul3A_112 = arith.muli %arg1, %mul3A_111 : i32
    "tpu.region"() ({
      %run_scoped3A = tpu.sem_alloc : memref<!tpu.dma_semaphore, #tpu.memory_space<semaphore_mem>>
      %dma_start3A_113 = arith.constant 0 : i32
      %dma_start3A_114 = tpu.memref_slice %arg5[%arg0, %mul3A_112, %dma_start3A_113] : memref<2x10112x128xf32, #tpu.memory_space<hbm>> -> memref<1x632x128xf32, #tpu.memory_space<hbm>>
      %dma_start3A_115 = tpu.memref_squeeze %dma_start3A_114 : memref<1x632x128xf32, #tpu.memory_space<hbm>> -> memref<632x128xf32, #tpu.memory_space<hbm>>
      %dma_start3A_116 = arith.constant 0 : i32
      %dma_start3A_117 = tpu.memref_slice %arg9[%mul3A_112, %dma_start3A_116] : memref<10112x128xf32, #tpu.memory_space<vmem_shared>> -> memref<632x128xf32, #tpu.memory_space<vmem_shared>>
      tpu.enqueue_dma source(%dma_start3A_117 : memref<632x128xf32, #tpu.memory_space<vmem_shared>>) target(%dma_start3A_115 : memref<632x128xf32, #tpu.memory_space<hbm>>) target_semaphore(%run_scoped3A : memref<!tpu.dma_semaphore, #tpu.memory_space<semaphore_mem>>)
      %dma_wait3A_118 = arith.constant 0 : i32
      %dma_wait3A_119 = tpu.memref_slice %arg5[%arg0, %mul3A_112, %dma_wait3A_118] : memref<2x10112x128xf32, #tpu.memory_space<hbm>> -> memref<1x632x128xf32, #tpu.memory_space<hbm>>
      %dma_wait3A_120 = tpu.memref_squeeze %dma_wait3A_119 : memref<1x632x128xf32, #tpu.memory_space<hbm>> -> memref<632x128xf32, #tpu.memory_space<hbm>>
      %dma_wait3A_121 = arith.constant 0 : i32
      %dma_wait3A_122 = tpu.memref_slice %arg9[%mul3A_112, %dma_wait3A_121] : memref<10112x128xf32, #tpu.memory_space<vmem_shared>> -> memref<632x128xf32, #tpu.memory_space<vmem_shared>>
      tpu.wait_dma2 semaphore(%run_scoped3A : memref<!tpu.dma_semaphore, #tpu.memory_space<semaphore_mem>>) src(%dma_wait3A_122 : memref<632x128xf32, #tpu.memory_space<vmem_shared>>) dst(%dma_wait3A_120 : memref<632x128xf32, #tpu.memory_space<hbm>>)
      tpu.yield
    }) : () -> ()
    return
  }
}

#map = affine_map<(d0, d1) -> (0, 0, 0)>
#map1 = affine_map<(d0, d1) -> (0, 0)>
module attributes {stable_mosaic.version = 14 : i64} {
  func.func @_sc_aggregate_body(%arg0: i32, %arg1: i32, %arg2: memref<32x80x128xi32, #tpu.memory_space<hbm>>, %arg3: memref<32x80x128xi32, #tpu.memory_space<hbm>>, %arg4: memref<10000x128xf32, #tpu.memory_space<hbm>>, %arg5: memref<2x10112x128xf32, #tpu.memory_space<hbm>>, %arg6: memref<80x128xi32, #tpu.memory_space<vmem>>, %arg7: memref<80x128xi32, #tpu.memory_space<vmem>>, %arg8: memref<128x128xf32, #tpu.memory_space<vmem>>, %arg9: memref<10112x128xf32, #tpu.memory_space<vmem_shared>>, %arg10: memref<!tpu.dma_semaphore, #tpu.memory_space<semaphore_mem>>, %arg11: memref<!tpu.dma_semaphore, #tpu.memory_space<semaphore_mem>>) attributes {dimension_semantics = [#tpu.dimension_semantics<core_parallel>, #tpu.dimension_semantics<subcore_parallel>], iteration_bounds = array<i64: 2, 16>, scalar_prefetch = 0 : i64, scratch_operands = 6 : i64, tpu.core_type = #tpu.core_type<sc_vector_subcore>, window_params = [{transform_indices = #map}, {transform_indices = #map}, {transform_indices = #map1}, {transform_indices = #map}]} {
    %mul3A = arith.constant 16 : i32
    %mul3A_0 = arith.muli %arg0, %mul3A : i32
    %add3A = arith.addi %mul3A_0, %arg1 : i32
    %dma_start3A = arith.constant 0 : i32
    %dma_start3A_1 = arith.constant 0 : i32
    %dma_start3A_2 = tpu.memref_slice %arg2[%add3A, %dma_start3A, %dma_start3A_1] : memref<32x80x128xi32, #tpu.memory_space<hbm>> -> memref<1x80x128xi32, #tpu.memory_space<hbm>>
    %dma_start3A_3 = tpu.memref_squeeze %dma_start3A_2 : memref<1x80x128xi32, #tpu.memory_space<hbm>> -> memref<80x128xi32, #tpu.memory_space<hbm>>
    %dma_start3A_4 = arith.constant 0 : i32
    %dma_start3A_5 = arith.constant 0 : i32
    %dma_start3A_6 = tpu.memref_slice %arg2[%add3A, %dma_start3A_4, %dma_start3A_5] : memref<32x80x128xi32, #tpu.memory_space<hbm>> -> memref<1x80x128xi32, #tpu.memory_space<hbm>>
    %dma_start3A_7 = tpu.memref_squeeze %dma_start3A_6 : memref<1x80x128xi32, #tpu.memory_space<hbm>> -> memref<80x128xi32, #tpu.memory_space<hbm>>
    tpu.enqueue_dma source(%dma_start3A_7 : memref<80x128xi32, #tpu.memory_space<hbm>>) target(%arg6 : memref<80x128xi32, #tpu.memory_space<vmem>>) target_semaphore(%arg11 : memref<!tpu.dma_semaphore, #tpu.memory_space<semaphore_mem>>)
    %dma_start3A_8 = arith.constant 0 : i32
    %dma_start3A_9 = arith.constant 0 : i32
    %dma_start3A_10 = tpu.memref_slice %arg3[%add3A, %dma_start3A_8, %dma_start3A_9] : memref<32x80x128xi32, #tpu.memory_space<hbm>> -> memref<1x80x128xi32, #tpu.memory_space<hbm>>
    %dma_start3A_11 = tpu.memref_squeeze %dma_start3A_10 : memref<1x80x128xi32, #tpu.memory_space<hbm>> -> memref<80x128xi32, #tpu.memory_space<hbm>>
    %dma_start3A_12 = arith.constant 0 : i32
    %dma_start3A_13 = arith.constant 0 : i32
    %dma_start3A_14 = tpu.memref_slice %arg3[%add3A, %dma_start3A_12, %dma_start3A_13] : memref<32x80x128xi32, #tpu.memory_space<hbm>> -> memref<1x80x128xi32, #tpu.memory_space<hbm>>
    %dma_start3A_15 = tpu.memref_squeeze %dma_start3A_14 : memref<1x80x128xi32, #tpu.memory_space<hbm>> -> memref<80x128xi32, #tpu.memory_space<hbm>>
    tpu.enqueue_dma source(%dma_start3A_15 : memref<80x128xi32, #tpu.memory_space<hbm>>) target(%arg7 : memref<80x128xi32, #tpu.memory_space<vmem>>) target_semaphore(%arg11 : memref<!tpu.dma_semaphore, #tpu.memory_space<semaphore_mem>>)
    %broadcast_in_dim3A = arith.constant 0.000000e+00 : f32
    %broadcast_in_dim3A_16 = vector.broadcast %broadcast_in_dim3A : f32 to vector<16xf32>
    %scan3A = arith.constant 0 : i32
    %scan3A_17 = arith.constant 0 : i32
    %scan3A_18 = arith.constant 128 : i32
    %scan3A_19 = arith.addi %scan3A_17, %scan3A_18 : i32
    %scan3A_20 = arith.constant 1 : i32
    %scan3A_21 = scf.for %scan3A_113 = %scan3A_17 to %scan3A_19 step %scan3A_20 iter_args(%scan3A_114 = %scan3A) -> (i32)  : i32 {
      %scan3A_115 = arith.constant 0 : i32
      %scan3A_116 = arith.constant 0 : i32
      %scan3A_117 = arith.constant 8 : i32
      %scan3A_118 = arith.addi %scan3A_116, %scan3A_117 : i32
      %scan3A_119 = arith.constant 1 : i32
      %scan3A_120 = scf.for %scan3A_122 = %scan3A_116 to %scan3A_118 step %scan3A_119 iter_args(%scan3A_123 = %scan3A_115) -> (i32)  : i32 {
        %mul3A_124 = arith.constant 16 : i32
        %mul3A_125 = arith.muli %scan3A_122, %mul3A_124 : i32
        %swap3A = arith.index_cast %scan3A_113 : i32 to index
        %swap3A_126 = arith.index_cast %mul3A_125 : i32 to index
        %swap3A_127 = tpu.vector_load %arg8[%swap3A, %swap3A_126] {strides = array<i32>} : memref<128x128xf32, #tpu.memory_space<vmem>>, vector<1x16xf32>,
        %swap3A_128 = vector.shape_cast %swap3A_127 : vector<1x16xf32> to vector<16xf32>
        %swap3A_129 = vector.shape_cast %broadcast_in_dim3A_16 : vector<16xf32> to vector<1x16xf32>
        tpu.vector_store %arg8[%swap3A, %swap3A_126], %swap3A_129 {strides = array<i32>} : memref<128x128xf32, #tpu.memory_space<vmem>>, vector<1x16xf32>,
        %scan3A_130 = arith.constant 0 : i32
        scf.yield %scan3A_130 : i32
      }
      %scan3A_121 = arith.constant 8 : i32
      scf.yield %scan3A_120 : i32
    }
    %scan3A_22 = arith.constant 128 : i32
    %mul3A_23 = arith.constant 632 : i32
    %mul3A_24 = arith.muli %arg1, %mul3A_23 : i32
    %add3A_25 = arith.constant 0 : i32
    %add3A_26 = arith.addi %mul3A_24, %add3A_25 : i32
    %dma_start3A_27 = arith.constant 0 : i32
    %dma_start3A_28 = tpu.memref_slice %arg9[%add3A_26, %dma_start3A_27] : memref<10112x128xf32, #tpu.memory_space<vmem_shared>> -> memref<128x128xf32, #tpu.memory_space<vmem_shared>>
    %dma_start3A_29 = arith.constant 0 : i32
    %dma_start3A_30 = tpu.memref_slice %arg9[%add3A_26, %dma_start3A_29] : memref<10112x128xf32, #tpu.memory_space<vmem_shared>> -> memref<128x128xf32, #tpu.memory_space<vmem_shared>>
    tpu.enqueue_dma source(%arg8 : memref<128x128xf32, #tpu.memory_space<vmem>>) target(%dma_start3A_30 : memref<128x128xf32, #tpu.memory_space<vmem_shared>>) target_semaphore(%arg10 : memref<!tpu.dma_semaphore, #tpu.memory_space<semaphore_mem>>)
    %add3A_31 = arith.constant 128 : i32
    %add3A_32 = arith.addi %mul3A_24, %add3A_31 : i32
    %dma_start3A_33 = arith.constant 0 : i32
    %dma_start3A_34 = tpu.memref_slice %arg9[%add3A_32, %dma_start3A_33] : memref<10112x128xf32, #tpu.memory_space<vmem_shared>> -> memref<128x128xf32, #tpu.memory_space<vmem_shared>>
    %dma_start3A_35 = arith.constant 0 : i32
    %dma_start3A_36 = tpu.memref_slice %arg9[%add3A_32, %dma_start3A_35] : memref<10112x128xf32, #tpu.memory_space<vmem_shared>> -> memref<128x128xf32, #tpu.memory_space<vmem_shared>>
    tpu.enqueue_dma source(%arg8 : memref<128x128xf32, #tpu.memory_space<vmem>>) target(%dma_start3A_36 : memref<128x128xf32, #tpu.memory_space<vmem_shared>>) target_semaphore(%arg10 : memref<!tpu.dma_semaphore, #tpu.memory_space<semaphore_mem>>)
    %add3A_37 = arith.constant 256 : i32
    %add3A_38 = arith.addi %mul3A_24, %add3A_37 : i32
    %dma_start3A_39 = arith.constant 0 : i32
    %dma_start3A_40 = tpu.memref_slice %arg9[%add3A_38, %dma_start3A_39] : memref<10112x128xf32, #tpu.memory_space<vmem_shared>> -> memref<128x128xf32, #tpu.memory_space<vmem_shared>>
    %dma_start3A_41 = arith.constant 0 : i32
    %dma_start3A_42 = tpu.memref_slice %arg9[%add3A_38, %dma_start3A_41] : memref<10112x128xf32, #tpu.memory_space<vmem_shared>> -> memref<128x128xf32, #tpu.memory_space<vmem_shared>>
    tpu.enqueue_dma source(%arg8 : memref<128x128xf32, #tpu.memory_space<vmem>>) target(%dma_start3A_42 : memref<128x128xf32, #tpu.memory_space<vmem_shared>>) target_semaphore(%arg10 : memref<!tpu.dma_semaphore, #tpu.memory_space<semaphore_mem>>)
    %add3A_43 = arith.constant 384 : i32
    %add3A_44 = arith.addi %mul3A_24, %add3A_43 : i32
    %dma_start3A_45 = arith.constant 0 : i32
    %dma_start3A_46 = tpu.memref_slice %arg9[%add3A_44, %dma_start3A_45] : memref<10112x128xf32, #tpu.memory_space<vmem_shared>> -> memref<128x128xf32, #tpu.memory_space<vmem_shared>>
    %dma_start3A_47 = arith.constant 0 : i32
    %dma_start3A_48 = tpu.memref_slice %arg9[%add3A_44, %dma_start3A_47] : memref<10112x128xf32, #tpu.memory_space<vmem_shared>> -> memref<128x128xf32, #tpu.memory_space<vmem_shared>>
    tpu.enqueue_dma source(%arg8 : memref<128x128xf32, #tpu.memory_space<vmem>>) target(%dma_start3A_48 : memref<128x128xf32, #tpu.memory_space<vmem_shared>>) target_semaphore(%arg10 : memref<!tpu.dma_semaphore, #tpu.memory_space<semaphore_mem>>)
    %add3A_49 = arith.constant 632 : i32
    %add3A_50 = arith.addi %mul3A_24, %add3A_49 : i32
    %sub3A = arith.constant 120 : i32
    %sub3A_51 = arith.subi %add3A_50, %sub3A : i32
    %dma_start3A_52 = arith.constant 0 : i32
    %dma_start3A_53 = arith.constant 0 : i32
    %dma_start3A_54 = tpu.memref_slice %arg8[%dma_start3A_52, %dma_start3A_53] : memref<128x128xf32, #tpu.memory_space<vmem>> -> memref<120x128xf32, #tpu.memory_space<vmem>>
    %dma_start3A_55 = arith.constant 0 : i32
    %dma_start3A_56 = tpu.memref_slice %arg9[%sub3A_51, %dma_start3A_55] : memref<10112x128xf32, #tpu.memory_space<vmem_shared>> -> memref<120x128xf32, #tpu.memory_space<vmem_shared>>
    %dma_start3A_57 = arith.constant 0 : i32
    %dma_start3A_58 = tpu.memref_slice %arg9[%sub3A_51, %dma_start3A_57] : memref<10112x128xf32, #tpu.memory_space<vmem_shared>> -> memref<120x128xf32, #tpu.memory_space<vmem_shared>>
    %dma_start3A_59 = arith.constant 0 : i32
    %dma_start3A_60 = arith.constant 0 : i32
    %dma_start3A_61 = tpu.memref_slice %arg8[%dma_start3A_59, %dma_start3A_60] : memref<128x128xf32, #tpu.memory_space<vmem>> -> memref<120x128xf32, #tpu.memory_space<vmem>>
    tpu.enqueue_dma source(%dma_start3A_61 : memref<120x128xf32, #tpu.memory_space<vmem>>) target(%dma_start3A_58 : memref<120x128xf32, #tpu.memory_space<vmem_shared>>) target_semaphore(%arg10 : memref<!tpu.dma_semaphore, #tpu.memory_space<semaphore_mem>>)
    %dma_wait3A = arith.constant 0 : i32
    %dma_wait3A_62 = tpu.memref_slice %arg9[%add3A_26, %dma_wait3A] : memref<10112x128xf32, #tpu.memory_space<vmem_shared>> -> memref<128x128xf32, #tpu.memory_space<vmem_shared>>
    %dma_wait3A_63 = arith.constant 0 : i32
    %dma_wait3A_64 = tpu.memref_slice %arg9[%add3A_26, %dma_wait3A_63] : memref<10112x128xf32, #tpu.memory_space<vmem_shared>> -> memref<128x128xf32, #tpu.memory_space<vmem_shared>>
    tpu.wait_dma2 semaphore(%arg10 : memref<!tpu.dma_semaphore, #tpu.memory_space<semaphore_mem>>) src(%arg8 : memref<128x128xf32, #tpu.memory_space<vmem>>) dst(%dma_wait3A_64 : memref<128x128xf32, #tpu.memory_space<vmem_shared>>)
    %dma_wait3A_65 = arith.constant 0 : i32
    %dma_wait3A_66 = tpu.memref_slice %arg9[%add3A_32, %dma_wait3A_65] : memref<10112x128xf32, #tpu.memory_space<vmem_shared>> -> memref<128x128xf32, #tpu.memory_space<vmem_shared>>
    %dma_wait3A_67 = arith.constant 0 : i32
    %dma_wait3A_68 = tpu.memref_slice %arg9[%add3A_32, %dma_wait3A_67] : memref<10112x128xf32, #tpu.memory_space<vmem_shared>> -> memref<128x128xf32, #tpu.memory_space<vmem_shared>>
    tpu.wait_dma2 semaphore(%arg10 : memref<!tpu.dma_semaphore, #tpu.memory_space<semaphore_mem>>) src(%arg8 : memref<128x128xf32, #tpu.memory_space<vmem>>) dst(%dma_wait3A_68 : memref<128x128xf32, #tpu.memory_space<vmem_shared>>)
    %dma_wait3A_69 = arith.constant 0 : i32
    %dma_wait3A_70 = tpu.memref_slice %arg9[%add3A_38, %dma_wait3A_69] : memref<10112x128xf32, #tpu.memory_space<vmem_shared>> -> memref<128x128xf32, #tpu.memory_space<vmem_shared>>
    %dma_wait3A_71 = arith.constant 0 : i32
    %dma_wait3A_72 = tpu.memref_slice %arg9[%add3A_38, %dma_wait3A_71] : memref<10112x128xf32, #tpu.memory_space<vmem_shared>> -> memref<128x128xf32, #tpu.memory_space<vmem_shared>>
    tpu.wait_dma2 semaphore(%arg10 : memref<!tpu.dma_semaphore, #tpu.memory_space<semaphore_mem>>) src(%arg8 : memref<128x128xf32, #tpu.memory_space<vmem>>) dst(%dma_wait3A_72 : memref<128x128xf32, #tpu.memory_space<vmem_shared>>)
    %dma_wait3A_73 = arith.constant 0 : i32
    %dma_wait3A_74 = tpu.memref_slice %arg9[%add3A_44, %dma_wait3A_73] : memref<10112x128xf32, #tpu.memory_space<vmem_shared>> -> memref<128x128xf32, #tpu.memory_space<vmem_shared>>
    %dma_wait3A_75 = arith.constant 0 : i32
    %dma_wait3A_76 = tpu.memref_slice %arg9[%add3A_44, %dma_wait3A_75] : memref<10112x128xf32, #tpu.memory_space<vmem_shared>> -> memref<128x128xf32, #tpu.memory_space<vmem_shared>>
    tpu.wait_dma2 semaphore(%arg10 : memref<!tpu.dma_semaphore, #tpu.memory_space<semaphore_mem>>) src(%arg8 : memref<128x128xf32, #tpu.memory_space<vmem>>) dst(%dma_wait3A_76 : memref<128x128xf32, #tpu.memory_space<vmem_shared>>)
    %dma_wait3A_77 = arith.constant 0 : i32
    %dma_wait3A_78 = arith.constant 0 : i32
    %dma_wait3A_79 = tpu.memref_slice %arg8[%dma_wait3A_77, %dma_wait3A_78] : memref<128x128xf32, #tpu.memory_space<vmem>> -> memref<120x128xf32, #tpu.memory_space<vmem>>
    %dma_wait3A_80 = arith.constant 0 : i32
    %dma_wait3A_81 = tpu.memref_slice %arg9[%sub3A_51, %dma_wait3A_80] : memref<10112x128xf32, #tpu.memory_space<vmem_shared>> -> memref<120x128xf32, #tpu.memory_space<vmem_shared>>
    %dma_wait3A_82 = arith.constant 0 : i32
    %dma_wait3A_83 = tpu.memref_slice %arg9[%sub3A_51, %dma_wait3A_82] : memref<10112x128xf32, #tpu.memory_space<vmem_shared>> -> memref<120x128xf32, #tpu.memory_space<vmem_shared>>
    %dma_wait3A_84 = arith.constant 0 : i32
    %dma_wait3A_85 = arith.constant 0 : i32
    %dma_wait3A_86 = tpu.memref_slice %arg8[%dma_wait3A_84, %dma_wait3A_85] : memref<128x128xf32, #tpu.memory_space<vmem>> -> memref<120x128xf32, #tpu.memory_space<vmem>>
    tpu.wait_dma2 semaphore(%arg10 : memref<!tpu.dma_semaphore, #tpu.memory_space<semaphore_mem>>) src(%dma_wait3A_86 : memref<120x128xf32, #tpu.memory_space<vmem>>) dst(%dma_wait3A_83 : memref<120x128xf32, #tpu.memory_space<vmem_shared>>)
    %dma_wait3A_87 = arith.constant 0 : i32
    %dma_wait3A_88 = arith.constant 0 : i32
    %dma_wait3A_89 = tpu.memref_slice %arg2[%add3A, %dma_wait3A_87, %dma_wait3A_88] : memref<32x80x128xi32, #tpu.memory_space<hbm>> -> memref<1x80x128xi32, #tpu.memory_space<hbm>>
    %dma_wait3A_90 = tpu.memref_squeeze %dma_wait3A_89 : memref<1x80x128xi32, #tpu.memory_space<hbm>> -> memref<80x128xi32, #tpu.memory_space<hbm>>
    %dma_wait3A_91 = arith.constant 0 : i32
    %dma_wait3A_92 = arith.constant 0 : i32
    %dma_wait3A_93 = tpu.memref_slice %arg2[%add3A, %dma_wait3A_91, %dma_wait3A_92] : memref<32x80x128xi32, #tpu.memory_space<hbm>> -> memref<1x80x128xi32, #tpu.memory_space<hbm>>
    %dma_wait3A_94 = tpu.memref_squeeze %dma_wait3A_93 : memref<1x80x128xi32, #tpu.memory_space<hbm>> -> memref<80x128xi32, #tpu.memory_space<hbm>>
    tpu.wait_dma2 semaphore(%arg11 : memref<!tpu.dma_semaphore, #tpu.memory_space<semaphore_mem>>) src(%dma_wait3A_94 : memref<80x128xi32, #tpu.memory_space<hbm>>) dst(%arg6 : memref<80x128xi32, #tpu.memory_space<vmem>>)
    %dma_wait3A_95 = arith.constant 0 : i32
    %dma_wait3A_96 = arith.constant 0 : i32
    %dma_wait3A_97 = tpu.memref_slice %arg3[%add3A, %dma_wait3A_95, %dma_wait3A_96] : memref<32x80x128xi32, #tpu.memory_space<hbm>> -> memref<1x80x128xi32, #tpu.memory_space<hbm>>
    %dma_wait3A_98 = tpu.memref_squeeze %dma_wait3A_97 : memref<1x80x128xi32, #tpu.memory_space<hbm>> -> memref<80x128xi32, #tpu.memory_space<hbm>>
    %dma_wait3A_99 = arith.constant 0 : i32
    %dma_wait3A_100 = arith.constant 0 : i32
    %dma_wait3A_101 = tpu.memref_slice %arg3[%add3A, %dma_wait3A_99, %dma_wait3A_100] : memref<32x80x128xi32, #tpu.memory_space<hbm>> -> memref<1x80x128xi32, #tpu.memory_space<hbm>>
    %dma_wait3A_102 = tpu.memref_squeeze %dma_wait3A_101 : memref<1x80x128xi32, #tpu.memory_space<hbm>> -> memref<80x128xi32, #tpu.memory_space<hbm>>
    tpu.wait_dma2 semaphore(%arg11 : memref<!tpu.dma_semaphore, #tpu.memory_space<semaphore_mem>>) src(%dma_wait3A_102 : memref<80x128xi32, #tpu.memory_space<hbm>>) dst(%arg7 : memref<80x128xi32, #tpu.memory_space<vmem>>)
    %barrier3A = arith.constant 0 : index
    tpu.barrier barrier_id(%barrier3A)
    %scan3A_103 = arith.constant 0 : i32
    %scan3A_104 = arith.constant 0 : i32
    %scan3A_105 = arith.constant 80 : i32
    %scan3A_106 = arith.addi %scan3A_104, %scan3A_105 : i32
    %scan3A_107 = arith.constant 1 : i32
    %scan3A_108 = scf.for %scan3A_113 = %scan3A_104 to %scan3A_106 step %scan3A_107 iter_args(%scan3A_114 = %scan3A_103) -> (i32)  : i32 {
      %dma_start3A_115 = arith.constant 0 : i32
      %dma_start3A_116 = tpu.memref_slice %arg6[%scan3A_113, %dma_start3A_115] : memref<80x128xi32, #tpu.memory_space<vmem>> -> memref<1x128xi32, #tpu.memory_space<vmem>>
      %dma_start3A_117 = tpu.memref_squeeze %dma_start3A_116 : memref<1x128xi32, #tpu.memory_space<vmem>> -> memref<128xi32, #tpu.memory_space<vmem>>
      %dma_start3A_118 = arith.constant 0 : i32
      %dma_start3A_119 = arith.constant 0 : i32
      %dma_start3A_120 = tpu.memref_slice %arg4[%dma_start3A_118, %dma_start3A_119] : memref<10000x128xf32, #tpu.memory_space<hbm>> -> memref<10000x128xf32, #tpu.memory_space<hbm>>
      tpu.enqueue_indirect_dma source(%dma_start3A_120 : memref<10000x128xf32, #tpu.memory_space<hbm>>) target(%arg8 : memref<128x128xf32, #tpu.memory_space<vmem>>) offsets(%dma_start3A_117 : memref<128xi32, #tpu.memory_space<vmem>>) semaphore(%arg10 : memref<!tpu.dma_semaphore, #tpu.memory_space<semaphore_mem>>)
      %dma_wait3A_121 = arith.constant 0 : i32
      %dma_wait3A_122 = tpu.memref_slice %arg6[%scan3A_113, %dma_wait3A_121] : memref<80x128xi32, #tpu.memory_space<vmem>> -> memref<1x128xi32, #tpu.memory_space<vmem>>
      %dma_wait3A_123 = tpu.memref_squeeze %dma_wait3A_122 : memref<1x128xi32, #tpu.memory_space<vmem>> -> memref<128xi32, #tpu.memory_space<vmem>>
      %dma_wait3A_124 = arith.constant 0 : i32
      %dma_wait3A_125 = arith.constant 0 : i32
      %dma_wait3A_126 = tpu.memref_slice %arg4[%dma_wait3A_124, %dma_wait3A_125] : memref<10000x128xf32, #tpu.memory_space<hbm>> -> memref<10000x128xf32, #tpu.memory_space<hbm>>
      tpu.wait_indirect_dma semaphore(%arg10 : memref<!tpu.dma_semaphore, #tpu.memory_space<semaphore_mem>>) src(%dma_wait3A_126 : memref<10000x128xf32, #tpu.memory_space<hbm>>) dst(%arg8 : memref<128x128xf32, #tpu.memory_space<vmem>>)
      "tpu.region"() ({
        %run_scoped3A = tpu.sem_alloc : memref<!tpu.dma_semaphore, #tpu.memory_space<semaphore_mem>>
        %dma_start3A_128 = arith.constant 0 : i32
        %dma_start3A_129 = tpu.memref_slice %arg7[%scan3A_113, %dma_start3A_128] : memref<80x128xi32, #tpu.memory_space<vmem>> -> memref<1x128xi32, #tpu.memory_space<vmem>>
        %dma_start3A_130 = tpu.memref_squeeze %dma_start3A_129 : memref<1x128xi32, #tpu.memory_space<vmem>> -> memref<128xi32, #tpu.memory_space<vmem>>
        %dma_start3A_131 = arith.constant 0 : i32
        %dma_start3A_132 = arith.constant 0 : i32
        %dma_start3A_133 = tpu.memref_slice %arg9[%dma_start3A_131, %dma_start3A_132] : memref<10112x128xf32, #tpu.memory_space<vmem_shared>> -> memref<10112x128xf32, #tpu.memory_space<vmem_shared>>
        tpu.enqueue_indirect_dma source(%arg8 : memref<128x128xf32, #tpu.memory_space<vmem>>) target(%dma_start3A_133 : memref<10112x128xf32, #tpu.memory_space<vmem_shared>>) offsets(%dma_start3A_130 : memref<128xi32, #tpu.memory_space<vmem>>) semaphore(%run_scoped3A : memref<!tpu.dma_semaphore, #tpu.memory_space<semaphore_mem>>) {add = true}
        %dma_wait3A_134 = arith.constant 0 : i32
        %dma_wait3A_135 = tpu.memref_slice %arg7[%scan3A_113, %dma_wait3A_134] : memref<80x128xi32, #tpu.memory_space<vmem>> -> memref<1x128xi32, #tpu.memory_space<vmem>>
        %dma_wait3A_136 = tpu.memref_squeeze %dma_wait3A_135 : memref<1x128xi32, #tpu.memory_space<vmem>> -> memref<128xi32, #tpu.memory_space<vmem>>
        %dma_wait3A_137 = arith.constant 0 : i32
        %dma_wait3A_138 = arith.constant 0 : i32
        %dma_wait3A_139 = tpu.memref_slice %arg9[%dma_wait3A_137, %dma_wait3A_138] : memref<10112x128xf32, #tpu.memory_space<vmem_shared>> -> memref<10112x128xf32, #tpu.memory_space<vmem_shared>>
        tpu.wait_indirect_dma semaphore(%run_scoped3A : memref<!tpu.dma_semaphore, #tpu.memory_space<semaphore_mem>>) src(%arg8 : memref<128x128xf32, #tpu.memory_space<vmem>>) dst(%dma_wait3A_139 : memref<10112x128xf32, #tpu.memory_space<vmem_shared>>)
        tpu.yield
      }) : () -> ()
      %scan3A_127 = arith.constant 0 : i32
      scf.yield %scan3A_127 : i32
    }
    %scan3A_109 = arith.constant 80 : i32
    %barrier3A_110 = arith.constant 0 : index
    tpu.barrier barrier_id(%barrier3A_110)
    %mul3A_111 = arith.constant 632 : i32
    %mul3A_112 = arith.muli %arg1, %mul3A_111 : i32
    "tpu.region"() ({
      %run_scoped3A = tpu.sem_alloc : memref<!tpu.dma_semaphore, #tpu.memory_space<semaphore_mem>>
      %dma_start3A_113 = arith.constant 0 : i32
      %dma_start3A_114 = tpu.memref_slice %arg5[%arg0, %mul3A_112, %dma_start3A_113] : memref<2x10112x128xf32, #tpu.memory_space<hbm>> -> memref<1x632x128xf32, #tpu.memory_space<hbm>>
      %dma_start3A_115 = tpu.memref_squeeze %dma_start3A_114 : memref<1x632x128xf32, #tpu.memory_space<hbm>> -> memref<632x128xf32, #tpu.memory_space<hbm>>
      %dma_start3A_116 = arith.constant 0 : i32
      %dma_start3A_117 = tpu.memref_slice %arg9[%mul3A_112, %dma_start3A_116] : memref<10112x128xf32, #tpu.memory_space<vmem_shared>> -> memref<632x128xf32, #tpu.memory_space<vmem_shared>>
      tpu.enqueue_dma source(%dma_start3A_117 : memref<632x128xf32, #tpu.memory_space<vmem_shared>>) target(%dma_start3A_115 : memref<632x128xf32, #tpu.memory_space<hbm>>) target_semaphore(%run_scoped3A : memref<!tpu.dma_semaphore, #tpu.memory_space<semaphore_mem>>)
      %dma_wait3A_118 = arith.constant 0 : i32
      %dma_wait3A_119 = tpu.memref_slice %arg5[%arg0, %mul3A_112, %dma_wait3A_118] : memref<2x10112x128xf32, #tpu.memory_space<hbm>> -> memref<1x632x128xf32, #tpu.memory_space<hbm>>
      %dma_wait3A_120 = tpu.memref_squeeze %dma_wait3A_119 : memref<1x632x128xf32, #tpu.memory_space<hbm>> -> memref<632x128xf32, #tpu.memory_space<hbm>>
      %dma_wait3A_121 = arith.constant 0 : i32
      %dma_wait3A_122 = tpu.memref_slice %arg9[%mul3A_112, %dma_wait3A_121] : memref<10112x128xf32, #tpu.memory_space<vmem_shared>> -> memref<632x128xf32, #tpu.memory_space<vmem_shared>>
      tpu.wait_dma2 semaphore(%run_scoped3A : memref<!tpu.dma_semaphore, #tpu.memory_space<semaphore_mem>>) src(%dma_wait3A_122 : memref<632x128xf32, #tpu.memory_space<vmem_shared>>) dst(%dma_wait3A_120 : memref<632x128xf32, #tpu.memory_space<hbm>>)
      tpu.yield
    }) : () -> ()
    return
  }
}

#map = affine_map<(d0, d1) -> (0, 0, 0)>
#map1 = affine_map<(d0, d1) -> (0, 0)>
module attributes {stable_mosaic.version = 14 : i64} {
  func.func @_sc_aggregate_body(%arg0: i32, %arg1: i32, %arg2: memref<32x80x128xi32, #tpu.memory_space<hbm>>, %arg3: memref<32x80x128xi32, #tpu.memory_space<hbm>>, %arg4: memref<10000x128xf32, #tpu.memory_space<hbm>>, %arg5: memref<2x10112x128xf32, #tpu.memory_space<hbm>>, %arg6: memref<80x128xi32, #tpu.memory_space<vmem>>, %arg7: memref<80x128xi32, #tpu.memory_space<vmem>>, %arg8: memref<128x128xf32, #tpu.memory_space<vmem>>, %arg9: memref<10112x128xf32, #tpu.memory_space<vmem_shared>>, %arg10: memref<!tpu.dma_semaphore, #tpu.memory_space<semaphore_mem>>, %arg11: memref<!tpu.dma_semaphore, #tpu.memory_space<semaphore_mem>>) attributes {dimension_semantics = [#tpu.dimension_semantics<core_parallel>, #tpu.dimension_semantics<subcore_parallel>], iteration_bounds = array<i64: 2, 16>, scalar_prefetch = 0 : i64, scratch_operands = 6 : i64, tpu.core_type = #tpu.core_type<sc_vector_subcore>, window_params = [{transform_indices = #map}, {transform_indices = #map}, {transform_indices = #map1}, {transform_indices = #map}]} {
    %mul3A = arith.constant 16 : i32
    %mul3A_0 = arith.muli %arg0, %mul3A : i32
    %add3A = arith.addi %mul3A_0, %arg1 : i32
    %dma_start3A = arith.constant 0 : i32
    %dma_start3A_1 = arith.constant 0 : i32
    %dma_start3A_2 = tpu.memref_slice %arg2[%add3A, %dma_start3A, %dma_start3A_1] : memref<32x80x128xi32, #tpu.memory_space<hbm>> -> memref<1x80x128xi32, #tpu.memory_space<hbm>>
    %dma_start3A_3 = tpu.memref_squeeze %dma_start3A_2 : memref<1x80x128xi32, #tpu.memory_space<hbm>> -> memref<80x128xi32, #tpu.memory_space<hbm>>
    %dma_start3A_4 = arith.constant 0 : i32
    %dma_start3A_5 = arith.constant 0 : i32
    %dma_start3A_6 = tpu.memref_slice %arg2[%add3A, %dma_start3A_4, %dma_start3A_5] : memref<32x80x128xi32, #tpu.memory_space<hbm>> -> memref<1x80x128xi32, #tpu.memory_space<hbm>>
    %dma_start3A_7 = tpu.memref_squeeze %dma_start3A_6 : memref<1x80x128xi32, #tpu.memory_space<hbm>> -> memref<80x128xi32, #tpu.memory_space<hbm>>
    tpu.enqueue_dma source(%dma_start3A_7 : memref<80x128xi32, #tpu.memory_space<hbm>>) target(%arg6 : memref<80x128xi32, #tpu.memory_space<vmem>>) target_semaphore(%arg11 : memref<!tpu.dma_semaphore, #tpu.memory_space<semaphore_mem>>)
    %dma_start3A_8 = arith.constant 0 : i32
    %dma_start3A_9 = arith.constant 0 : i32
    %dma_start3A_10 = tpu.memref_slice %arg3[%add3A, %dma_start3A_8, %dma_start3A_9] : memref<32x80x128xi32, #tpu.memory_space<hbm>> -> memref<1x80x128xi32, #tpu.memory_space<hbm>>
    %dma_start3A_11 = tpu.memref_squeeze %dma_start3A_10 : memref<1x80x128xi32, #tpu.memory_space<hbm>> -> memref<80x128xi32, #tpu.memory_space<hbm>>
    %dma_start3A_12 = arith.constant 0 : i32
    %dma_start3A_13 = arith.constant 0 : i32
    %dma_start3A_14 = tpu.memref_slice %arg3[%add3A, %dma_start3A_12, %dma_start3A_13] : memref<32x80x128xi32, #tpu.memory_space<hbm>> -> memref<1x80x128xi32, #tpu.memory_space<hbm>>
    %dma_start3A_15 = tpu.memref_squeeze %dma_start3A_14 : memref<1x80x128xi32, #tpu.memory_space<hbm>> -> memref<80x128xi32, #tpu.memory_space<hbm>>
    tpu.enqueue_dma source(%dma_start3A_15 : memref<80x128xi32, #tpu.memory_space<hbm>>) target(%arg7 : memref<80x128xi32, #tpu.memory_space<vmem>>) target_semaphore(%arg11 : memref<!tpu.dma_semaphore, #tpu.memory_space<semaphore_mem>>)
    %broadcast_in_dim3A = arith.constant 0.000000e+00 : f32
    %broadcast_in_dim3A_16 = vector.broadcast %broadcast_in_dim3A : f32 to vector<16xf32>
    %scan3A = arith.constant 0 : i32
    %scan3A_17 = arith.constant 0 : i32
    %scan3A_18 = arith.constant 128 : i32
    %scan3A_19 = arith.addi %scan3A_17, %scan3A_18 : i32
    %scan3A_20 = arith.constant 1 : i32
    %scan3A_21 = scf.for %scan3A_113 = %scan3A_17 to %scan3A_19 step %scan3A_20 iter_args(%scan3A_114 = %scan3A) -> (i32)  : i32 {
      %scan3A_115 = arith.constant 0 : i32
      %scan3A_116 = arith.constant 0 : i32
      %scan3A_117 = arith.constant 8 : i32
      %scan3A_118 = arith.addi %scan3A_116, %scan3A_117 : i32
      %scan3A_119 = arith.constant 1 : i32
      %scan3A_120 = scf.for %scan3A_122 = %scan3A_116 to %scan3A_118 step %scan3A_119 iter_args(%scan3A_123 = %scan3A_115) -> (i32)  : i32 {
        %mul3A_124 = arith.constant 16 : i32
        %mul3A_125 = arith.muli %scan3A_122, %mul3A_124 : i32
        %swap3A = arith.index_cast %scan3A_113 : i32 to index
        %swap3A_126 = arith.index_cast %mul3A_125 : i32 to index
        %swap3A_127 = tpu.vector_load %arg8[%swap3A, %swap3A_126] {strides = array<i32>} : memref<128x128xf32, #tpu.memory_space<vmem>>, vector<1x16xf32>,
        %swap3A_128 = vector.shape_cast %swap3A_127 : vector<1x16xf32> to vector<16xf32>
        %swap3A_129 = vector.shape_cast %broadcast_in_dim3A_16 : vector<16xf32> to vector<1x16xf32>
        tpu.vector_store %arg8[%swap3A, %swap3A_126], %swap3A_129 {strides = array<i32>} : memref<128x128xf32, #tpu.memory_space<vmem>>, vector<1x16xf32>,
        %scan3A_130 = arith.constant 0 : i32
        scf.yield %scan3A_130 : i32
      }
      %scan3A_121 = arith.constant 8 : i32
      scf.yield %scan3A_120 : i32
    }
    %scan3A_22 = arith.constant 128 : i32
    %mul3A_23 = arith.constant 632 : i32
    %mul3A_24 = arith.muli %arg1, %mul3A_23 : i32
    %add3A_25 = arith.constant 0 : i32
    %add3A_26 = arith.addi %mul3A_24, %add3A_25 : i32
    %dma_start3A_27 = arith.constant 0 : i32
    %dma_start3A_28 = tpu.memref_slice %arg9[%add3A_26, %dma_start3A_27] : memref<10112x128xf32, #tpu.memory_space<vmem_shared>> -> memref<128x128xf32, #tpu.memory_space<vmem_shared>>
    %dma_start3A_29 = arith.constant 0 : i32
    %dma_start3A_30 = tpu.memref_slice %arg9[%add3A_26, %dma_start3A_29] : memref<10112x128xf32, #tpu.memory_space<vmem_shared>> -> memref<128x128xf32, #tpu.memory_space<vmem_shared>>
    tpu.enqueue_dma source(%arg8 : memref<128x128xf32, #tpu.memory_space<vmem>>) target(%dma_start3A_30 : memref<128x128xf32, #tpu.memory_space<vmem_shared>>) target_semaphore(%arg10 : memref<!tpu.dma_semaphore, #tpu.memory_space<semaphore_mem>>)
    %add3A_31 = arith.constant 128 : i32
    %add3A_32 = arith.addi %mul3A_24, %add3A_31 : i32
    %dma_start3A_33 = arith.constant 0 : i32
    %dma_start3A_34 = tpu.memref_slice %arg9[%add3A_32, %dma_start3A_33] : memref<10112x128xf32, #tpu.memory_space<vmem_shared>> -> memref<128x128xf32, #tpu.memory_space<vmem_shared>>
    %dma_start3A_35 = arith.constant 0 : i32
    %dma_start3A_36 = tpu.memref_slice %arg9[%add3A_32, %dma_start3A_35] : memref<10112x128xf32, #tpu.memory_space<vmem_shared>> -> memref<128x128xf32, #tpu.memory_space<vmem_shared>>
    tpu.enqueue_dma source(%arg8 : memref<128x128xf32, #tpu.memory_space<vmem>>) target(%dma_start3A_36 : memref<128x128xf32, #tpu.memory_space<vmem_shared>>) target_semaphore(%arg10 : memref<!tpu.dma_semaphore, #tpu.memory_space<semaphore_mem>>)
    %add3A_37 = arith.constant 256 : i32
    %add3A_38 = arith.addi %mul3A_24, %add3A_37 : i32
    %dma_start3A_39 = arith.constant 0 : i32
    %dma_start3A_40 = tpu.memref_slice %arg9[%add3A_38, %dma_start3A_39] : memref<10112x128xf32, #tpu.memory_space<vmem_shared>> -> memref<128x128xf32, #tpu.memory_space<vmem_shared>>
    %dma_start3A_41 = arith.constant 0 : i32
    %dma_start3A_42 = tpu.memref_slice %arg9[%add3A_38, %dma_start3A_41] : memref<10112x128xf32, #tpu.memory_space<vmem_shared>> -> memref<128x128xf32, #tpu.memory_space<vmem_shared>>
    tpu.enqueue_dma source(%arg8 : memref<128x128xf32, #tpu.memory_space<vmem>>) target(%dma_start3A_42 : memref<128x128xf32, #tpu.memory_space<vmem_shared>>) target_semaphore(%arg10 : memref<!tpu.dma_semaphore, #tpu.memory_space<semaphore_mem>>)
    %add3A_43 = arith.constant 384 : i32
    %add3A_44 = arith.addi %mul3A_24, %add3A_43 : i32
    %dma_start3A_45 = arith.constant 0 : i32
    %dma_start3A_46 = tpu.memref_slice %arg9[%add3A_44, %dma_start3A_45] : memref<10112x128xf32, #tpu.memory_space<vmem_shared>> -> memref<128x128xf32, #tpu.memory_space<vmem_shared>>
    %dma_start3A_47 = arith.constant 0 : i32
    %dma_start3A_48 = tpu.memref_slice %arg9[%add3A_44, %dma_start3A_47] : memref<10112x128xf32, #tpu.memory_space<vmem_shared>> -> memref<128x128xf32, #tpu.memory_space<vmem_shared>>
    tpu.enqueue_dma source(%arg8 : memref<128x128xf32, #tpu.memory_space<vmem>>) target(%dma_start3A_48 : memref<128x128xf32, #tpu.memory_space<vmem_shared>>) target_semaphore(%arg10 : memref<!tpu.dma_semaphore, #tpu.memory_space<semaphore_mem>>)
    %add3A_49 = arith.constant 632 : i32
    %add3A_50 = arith.addi %mul3A_24, %add3A_49 : i32
    %sub3A = arith.constant 120 : i32
    %sub3A_51 = arith.subi %add3A_50, %sub3A : i32
    %dma_start3A_52 = arith.constant 0 : i32
    %dma_start3A_53 = arith.constant 0 : i32
    %dma_start3A_54 = tpu.memref_slice %arg8[%dma_start3A_52, %dma_start3A_53] : memref<128x128xf32, #tpu.memory_space<vmem>> -> memref<120x128xf32, #tpu.memory_space<vmem>>
    %dma_start3A_55 = arith.constant 0 : i32
    %dma_start3A_56 = tpu.memref_slice %arg9[%sub3A_51, %dma_start3A_55] : memref<10112x128xf32, #tpu.memory_space<vmem_shared>> -> memref<120x128xf32, #tpu.memory_space<vmem_shared>>
    %dma_start3A_57 = arith.constant 0 : i32
    %dma_start3A_58 = tpu.memref_slice %arg9[%sub3A_51, %dma_start3A_57] : memref<10112x128xf32, #tpu.memory_space<vmem_shared>> -> memref<120x128xf32, #tpu.memory_space<vmem_shared>>
    %dma_start3A_59 = arith.constant 0 : i32
    %dma_start3A_60 = arith.constant 0 : i32
    %dma_start3A_61 = tpu.memref_slice %arg8[%dma_start3A_59, %dma_start3A_60] : memref<128x128xf32, #tpu.memory_space<vmem>> -> memref<120x128xf32, #tpu.memory_space<vmem>>
    tpu.enqueue_dma source(%dma_start3A_61 : memref<120x128xf32, #tpu.memory_space<vmem>>) target(%dma_start3A_58 : memref<120x128xf32, #tpu.memory_space<vmem_shared>>) target_semaphore(%arg10 : memref<!tpu.dma_semaphore, #tpu.memory_space<semaphore_mem>>)
    %dma_wait3A = arith.constant 0 : i32
    %dma_wait3A_62 = tpu.memref_slice %arg9[%add3A_26, %dma_wait3A] : memref<10112x128xf32, #tpu.memory_space<vmem_shared>> -> memref<128x128xf32, #tpu.memory_space<vmem_shared>>
    %dma_wait3A_63 = arith.constant 0 : i32
    %dma_wait3A_64 = tpu.memref_slice %arg9[%add3A_26, %dma_wait3A_63] : memref<10112x128xf32, #tpu.memory_space<vmem_shared>> -> memref<128x128xf32, #tpu.memory_space<vmem_shared>>
    tpu.wait_dma2 semaphore(%arg10 : memref<!tpu.dma_semaphore, #tpu.memory_space<semaphore_mem>>) src(%arg8 : memref<128x128xf32, #tpu.memory_space<vmem>>) dst(%dma_wait3A_64 : memref<128x128xf32, #tpu.memory_space<vmem_shared>>)
    %dma_wait3A_65 = arith.constant 0 : i32
    %dma_wait3A_66 = tpu.memref_slice %arg9[%add3A_32, %dma_wait3A_65] : memref<10112x128xf32, #tpu.memory_space<vmem_shared>> -> memref<128x128xf32, #tpu.memory_space<vmem_shared>>
    %dma_wait3A_67 = arith.constant 0 : i32
    %dma_wait3A_68 = tpu.memref_slice %arg9[%add3A_32, %dma_wait3A_67] : memref<10112x128xf32, #tpu.memory_space<vmem_shared>> -> memref<128x128xf32, #tpu.memory_space<vmem_shared>>
    tpu.wait_dma2 semaphore(%arg10 : memref<!tpu.dma_semaphore, #tpu.memory_space<semaphore_mem>>) src(%arg8 : memref<128x128xf32, #tpu.memory_space<vmem>>) dst(%dma_wait3A_68 : memref<128x128xf32, #tpu.memory_space<vmem_shared>>)
    %dma_wait3A_69 = arith.constant 0 : i32
    %dma_wait3A_70 = tpu.memref_slice %arg9[%add3A_38, %dma_wait3A_69] : memref<10112x128xf32, #tpu.memory_space<vmem_shared>> -> memref<128x128xf32, #tpu.memory_space<vmem_shared>>
    %dma_wait3A_71 = arith.constant 0 : i32
    %dma_wait3A_72 = tpu.memref_slice %arg9[%add3A_38, %dma_wait3A_71] : memref<10112x128xf32, #tpu.memory_space<vmem_shared>> -> memref<128x128xf32, #tpu.memory_space<vmem_shared>>
    tpu.wait_dma2 semaphore(%arg10 : memref<!tpu.dma_semaphore, #tpu.memory_space<semaphore_mem>>) src(%arg8 : memref<128x128xf32, #tpu.memory_space<vmem>>) dst(%dma_wait3A_72 : memref<128x128xf32, #tpu.memory_space<vmem_shared>>)
    %dma_wait3A_73 = arith.constant 0 : i32
    %dma_wait3A_74 = tpu.memref_slice %arg9[%add3A_44, %dma_wait3A_73] : memref<10112x128xf32, #tpu.memory_space<vmem_shared>> -> memref<128x128xf32, #tpu.memory_space<vmem_shared>>
    %dma_wait3A_75 = arith.constant 0 : i32
    %dma_wait3A_76 = tpu.memref_slice %arg9[%add3A_44, %dma_wait3A_75] : memref<10112x128xf32, #tpu.memory_space<vmem_shared>> -> memref<128x128xf32, #tpu.memory_space<vmem_shared>>
    tpu.wait_dma2 semaphore(%arg10 : memref<!tpu.dma_semaphore, #tpu.memory_space<semaphore_mem>>) src(%arg8 : memref<128x128xf32, #tpu.memory_space<vmem>>) dst(%dma_wait3A_76 : memref<128x128xf32, #tpu.memory_space<vmem_shared>>)
    %dma_wait3A_77 = arith.constant 0 : i32
    %dma_wait3A_78 = arith.constant 0 : i32
    %dma_wait3A_79 = tpu.memref_slice %arg8[%dma_wait3A_77, %dma_wait3A_78] : memref<128x128xf32, #tpu.memory_space<vmem>> -> memref<120x128xf32, #tpu.memory_space<vmem>>
    %dma_wait3A_80 = arith.constant 0 : i32
    %dma_wait3A_81 = tpu.memref_slice %arg9[%sub3A_51, %dma_wait3A_80] : memref<10112x128xf32, #tpu.memory_space<vmem_shared>> -> memref<120x128xf32, #tpu.memory_space<vmem_shared>>
    %dma_wait3A_82 = arith.constant 0 : i32
    %dma_wait3A_83 = tpu.memref_slice %arg9[%sub3A_51, %dma_wait3A_82] : memref<10112x128xf32, #tpu.memory_space<vmem_shared>> -> memref<120x128xf32, #tpu.memory_space<vmem_shared>>
    %dma_wait3A_84 = arith.constant 0 : i32
    %dma_wait3A_85 = arith.constant 0 : i32
    %dma_wait3A_86 = tpu.memref_slice %arg8[%dma_wait3A_84, %dma_wait3A_85] : memref<128x128xf32, #tpu.memory_space<vmem>> -> memref<120x128xf32, #tpu.memory_space<vmem>>
    tpu.wait_dma2 semaphore(%arg10 : memref<!tpu.dma_semaphore, #tpu.memory_space<semaphore_mem>>) src(%dma_wait3A_86 : memref<120x128xf32, #tpu.memory_space<vmem>>) dst(%dma_wait3A_83 : memref<120x128xf32, #tpu.memory_space<vmem_shared>>)
    %dma_wait3A_87 = arith.constant 0 : i32
    %dma_wait3A_88 = arith.constant 0 : i32
    %dma_wait3A_89 = tpu.memref_slice %arg2[%add3A, %dma_wait3A_87, %dma_wait3A_88] : memref<32x80x128xi32, #tpu.memory_space<hbm>> -> memref<1x80x128xi32, #tpu.memory_space<hbm>>
    %dma_wait3A_90 = tpu.memref_squeeze %dma_wait3A_89 : memref<1x80x128xi32, #tpu.memory_space<hbm>> -> memref<80x128xi32, #tpu.memory_space<hbm>>
    %dma_wait3A_91 = arith.constant 0 : i32
    %dma_wait3A_92 = arith.constant 0 : i32
    %dma_wait3A_93 = tpu.memref_slice %arg2[%add3A, %dma_wait3A_91, %dma_wait3A_92] : memref<32x80x128xi32, #tpu.memory_space<hbm>> -> memref<1x80x128xi32, #tpu.memory_space<hbm>>
    %dma_wait3A_94 = tpu.memref_squeeze %dma_wait3A_93 : memref<1x80x128xi32, #tpu.memory_space<hbm>> -> memref<80x128xi32, #tpu.memory_space<hbm>>
    tpu.wait_dma2 semaphore(%arg11 : memref<!tpu.dma_semaphore, #tpu.memory_space<semaphore_mem>>) src(%dma_wait3A_94 : memref<80x128xi32, #tpu.memory_space<hbm>>) dst(%arg6 : memref<80x128xi32, #tpu.memory_space<vmem>>)
    %dma_wait3A_95 = arith.constant 0 : i32
    %dma_wait3A_96 = arith.constant 0 : i32
    %dma_wait3A_97 = tpu.memref_slice %arg3[%add3A, %dma_wait3A_95, %dma_wait3A_96] : memref<32x80x128xi32, #tpu.memory_space<hbm>> -> memref<1x80x128xi32, #tpu.memory_space<hbm>>
    %dma_wait3A_98 = tpu.memref_squeeze %dma_wait3A_97 : memref<1x80x128xi32, #tpu.memory_space<hbm>> -> memref<80x128xi32, #tpu.memory_space<hbm>>
    %dma_wait3A_99 = arith.constant 0 : i32
    %dma_wait3A_100 = arith.constant 0 : i32
    %dma_wait3A_101 = tpu.memref_slice %arg3[%add3A, %dma_wait3A_99, %dma_wait3A_100] : memref<32x80x128xi32, #tpu.memory_space<hbm>> -> memref<1x80x128xi32, #tpu.memory_space<hbm>>
    %dma_wait3A_102 = tpu.memref_squeeze %dma_wait3A_101 : memref<1x80x128xi32, #tpu.memory_space<hbm>> -> memref<80x128xi32, #tpu.memory_space<hbm>>
    tpu.wait_dma2 semaphore(%arg11 : memref<!tpu.dma_semaphore, #tpu.memory_space<semaphore_mem>>) src(%dma_wait3A_102 : memref<80x128xi32, #tpu.memory_space<hbm>>) dst(%arg7 : memref<80x128xi32, #tpu.memory_space<vmem>>)
    %barrier3A = arith.constant 0 : index
    tpu.barrier barrier_id(%barrier3A)
    %scan3A_103 = arith.constant 0 : i32
    %scan3A_104 = arith.constant 0 : i32
    %scan3A_105 = arith.constant 80 : i32
    %scan3A_106 = arith.addi %scan3A_104, %scan3A_105 : i32
    %scan3A_107 = arith.constant 1 : i32
    %scan3A_108 = scf.for %scan3A_113 = %scan3A_104 to %scan3A_106 step %scan3A_107 iter_args(%scan3A_114 = %scan3A_103) -> (i32)  : i32 {
      %dma_start3A_115 = arith.constant 0 : i32
      %dma_start3A_116 = tpu.memref_slice %arg6[%scan3A_113, %dma_start3A_115] : memref<80x128xi32, #tpu.memory_space<vmem>> -> memref<1x128xi32, #tpu.memory_space<vmem>>
      %dma_start3A_117 = tpu.memref_squeeze %dma_start3A_116 : memref<1x128xi32, #tpu.memory_space<vmem>> -> memref<128xi32, #tpu.memory_space<vmem>>
      %dma_start3A_118 = arith.constant 0 : i32
      %dma_start3A_119 = arith.constant 0 : i32
      %dma_start3A_120 = tpu.memref_slice %arg4[%dma_start3A_118, %dma_start3A_119] : memref<10000x128xf32, #tpu.memory_space<hbm>> -> memref<10000x128xf32, #tpu.memory_space<hbm>>
      tpu.enqueue_indirect_dma source(%dma_start3A_120 : memref<10000x128xf32, #tpu.memory_space<hbm>>) target(%arg8 : memref<128x128xf32, #tpu.memory_space<vmem>>) offsets(%dma_start3A_117 : memref<128xi32, #tpu.memory_space<vmem>>) semaphore(%arg10 : memref<!tpu.dma_semaphore, #tpu.memory_space<semaphore_mem>>)
      %dma_wait3A_121 = arith.constant 0 : i32
      %dma_wait3A_122 = tpu.memref_slice %arg6[%scan3A_113, %dma_wait3A_121] : memref<80x128xi32, #tpu.memory_space<vmem>> -> memref<1x128xi32, #tpu.memory_space<vmem>>
      %dma_wait3A_123 = tpu.memref_squeeze %dma_wait3A_122 : memref<1x128xi32, #tpu.memory_space<vmem>> -> memref<128xi32, #tpu.memory_space<vmem>>
      %dma_wait3A_124 = arith.constant 0 : i32
      %dma_wait3A_125 = arith.constant 0 : i32
      %dma_wait3A_126 = tpu.memref_slice %arg4[%dma_wait3A_124, %dma_wait3A_125] : memref<10000x128xf32, #tpu.memory_space<hbm>> -> memref<10000x128xf32, #tpu.memory_space<hbm>>
      tpu.wait_indirect_dma semaphore(%arg10 : memref<!tpu.dma_semaphore, #tpu.memory_space<semaphore_mem>>) src(%dma_wait3A_126 : memref<10000x128xf32, #tpu.memory_space<hbm>>) dst(%arg8 : memref<128x128xf32, #tpu.memory_space<vmem>>)
      "tpu.region"() ({
        %run_scoped3A = tpu.sem_alloc : memref<!tpu.dma_semaphore, #tpu.memory_space<semaphore_mem>>
        %dma_start3A_128 = arith.constant 0 : i32
        %dma_start3A_129 = tpu.memref_slice %arg7[%scan3A_113, %dma_start3A_128] : memref<80x128xi32, #tpu.memory_space<vmem>> -> memref<1x128xi32, #tpu.memory_space<vmem>>
        %dma_start3A_130 = tpu.memref_squeeze %dma_start3A_129 : memref<1x128xi32, #tpu.memory_space<vmem>> -> memref<128xi32, #tpu.memory_space<vmem>>
        %dma_start3A_131 = arith.constant 0 : i32
        %dma_start3A_132 = arith.constant 0 : i32
        %dma_start3A_133 = tpu.memref_slice %arg9[%dma_start3A_131, %dma_start3A_132] : memref<10112x128xf32, #tpu.memory_space<vmem_shared>> -> memref<10112x128xf32, #tpu.memory_space<vmem_shared>>
        tpu.enqueue_indirect_dma source(%arg8 : memref<128x128xf32, #tpu.memory_space<vmem>>) target(%dma_start3A_133 : memref<10112x128xf32, #tpu.memory_space<vmem_shared>>) offsets(%dma_start3A_130 : memref<128xi32, #tpu.memory_space<vmem>>) semaphore(%run_scoped3A : memref<!tpu.dma_semaphore, #tpu.memory_space<semaphore_mem>>) {add = true}
        %dma_wait3A_134 = arith.constant 0 : i32
        %dma_wait3A_135 = tpu.memref_slice %arg7[%scan3A_113, %dma_wait3A_134] : memref<80x128xi32, #tpu.memory_space<vmem>> -> memref<1x128xi32, #tpu.memory_space<vmem>>
        %dma_wait3A_136 = tpu.memref_squeeze %dma_wait3A_135 : memref<1x128xi32, #tpu.memory_space<vmem>> -> memref<128xi32, #tpu.memory_space<vmem>>
        %dma_wait3A_137 = arith.constant 0 : i32
        %dma_wait3A_138 = arith.constant 0 : i32
        %dma_wait3A_139 = tpu.memref_slice %arg9[%dma_wait3A_137, %dma_wait3A_138] : memref<10112x128xf32, #tpu.memory_space<vmem_shared>> -> memref<10112x128xf32, #tpu.memory_space<vmem_shared>>
        tpu.wait_indirect_dma semaphore(%run_scoped3A : memref<!tpu.dma_semaphore, #tpu.memory_space<semaphore_mem>>) src(%arg8 : memref<128x128xf32, #tpu.memory_space<vmem>>) dst(%dma_wait3A_139 : memref<10112x128xf32, #tpu.memory_space<vmem_shared>>)
        tpu.yield
      }) : () -> ()
      %scan3A_127 = arith.constant 0 : i32
      scf.yield %scan3A_127 : i32
    }
    %scan3A_109 = arith.constant 80 : i32
    %barrier3A_110 = arith.constant 0 : index
    tpu.barrier barrier_id(%barrier3A_110)
    %mul3A_111 = arith.constant 632 : i32
    %mul3A_112 = arith.muli %arg1, %mul3A_111 : i32
    "tpu.region"() ({
      %run_scoped3A = tpu.sem_alloc : memref<!tpu.dma_semaphore, #tpu.memory_space<semaphore_mem>>
      %dma_start3A_113 = arith.constant 0 : i32
      %dma_start3A_114 = tpu.memref_slice %arg5[%arg0, %mul3A_112, %dma_start3A_113] : memref<2x10112x128xf32, #tpu.memory_space<hbm>> -> memref<1x632x128xf32, #tpu.memory_space<hbm>>
      %dma_start3A_115 = tpu.memref_squeeze %dma_start3A_114 : memref<1x632x128xf32, #tpu.memory_space<hbm>> -> memref<632x128xf32, #tpu.memory_space<hbm>>
      %dma_start3A_116 = arith.constant 0 : i32
      %dma_start3A_117 = tpu.memref_slice %arg9[%mul3A_112, %dma_start3A_116] : memref<10112x128xf32, #tpu.memory_space<vmem_shared>> -> memref<632x128xf32, #tpu.memory_space<vmem_shared>>
      tpu.enqueue_dma source(%dma_start3A_117 : memref<632x128xf32, #tpu.memory_space<vmem_shared>>) target(%dma_start3A_115 : memref<632x128xf32, #tpu.memory_space<hbm>>) target_semaphore(%run_scoped3A : memref<!tpu.dma_semaphore, #tpu.memory_space<semaphore_mem>>)
      %dma_wait3A_118 = arith.constant 0 : i32
      %dma_wait3A_119 = tpu.memref_slice %arg5[%arg0, %mul3A_112, %dma_wait3A_118] : memref<2x10112x128xf32, #tpu.memory_space<hbm>> -> memref<1x632x128xf32, #tpu.memory_space<hbm>>
      %dma_wait3A_120 = tpu.memref_squeeze %dma_wait3A_119 : memref<1x632x128xf32, #tpu.memory_space<hbm>> -> memref<632x128xf32, #tpu.memory_space<hbm>>
      %dma_wait3A_121 = arith.constant 0 : i32
      %dma_wait3A_122 = tpu.memref_slice %arg9[%mul3A_112, %dma_wait3A_121] : memref<10112x128xf32, #tpu.memory_space<vmem_shared>> -> memref<632x128xf32, #tpu.memory_space<vmem_shared>>
      tpu.wait_dma2 semaphore(%run_scoped3A : memref<!tpu.dma_semaphore, #tpu.memory_space<semaphore_mem>>) src(%dma_wait3A_122 : memref<632x128xf32, #tpu.memory_space<vmem_shared>>) dst(%dma_wait3A_120 : memref<632x128xf32, #tpu.memory_space<hbm>>)
      tpu.yield
    }) : () -> ()
    return
  }
}

#map = affine_map<(d0, d1) -> (0, 0, 0)>
#map1 = affine_map<(d0, d1) -> (0, 0)>
module attributes {stable_mosaic.version = 14 : i64} {
  func.func @_sc_aggregate_body(%arg0: i32, %arg1: i32, %arg2: memref<32x80x128xi32, #tpu.memory_space<hbm>>, %arg3: memref<32x80x128xi32, #tpu.memory_space<hbm>>, %arg4: memref<10000x128xf32, #tpu.memory_space<hbm>>, %arg5: memref<2x10112x128xf32, #tpu.memory_space<hbm>>, %arg6: memref<80x128xi32, #tpu.memory_space<vmem>>, %arg7: memref<80x128xi32, #tpu.memory_space<vmem>>, %arg8: memref<128x128xf32, #tpu.memory_space<vmem>>, %arg9: memref<10112x128xf32, #tpu.memory_space<vmem_shared>>, %arg10: memref<!tpu.dma_semaphore, #tpu.memory_space<semaphore_mem>>, %arg11: memref<!tpu.dma_semaphore, #tpu.memory_space<semaphore_mem>>) attributes {dimension_semantics = [#tpu.dimension_semantics<core_parallel>, #tpu.dimension_semantics<subcore_parallel>], iteration_bounds = array<i64: 2, 16>, scalar_prefetch = 0 : i64, scratch_operands = 6 : i64, tpu.core_type = #tpu.core_type<sc_vector_subcore>, window_params = [{transform_indices = #map}, {transform_indices = #map}, {transform_indices = #map1}, {transform_indices = #map}]} {
    %mul3A = arith.constant 16 : i32
    %mul3A_0 = arith.muli %arg0, %mul3A : i32
    %add3A = arith.addi %mul3A_0, %arg1 : i32
    %dma_start3A = arith.constant 0 : i32
    %dma_start3A_1 = arith.constant 0 : i32
    %dma_start3A_2 = tpu.memref_slice %arg2[%add3A, %dma_start3A, %dma_start3A_1] : memref<32x80x128xi32, #tpu.memory_space<hbm>> -> memref<1x80x128xi32, #tpu.memory_space<hbm>>
    %dma_start3A_3 = tpu.memref_squeeze %dma_start3A_2 : memref<1x80x128xi32, #tpu.memory_space<hbm>> -> memref<80x128xi32, #tpu.memory_space<hbm>>
    %dma_start3A_4 = arith.constant 0 : i32
    %dma_start3A_5 = arith.constant 0 : i32
    %dma_start3A_6 = tpu.memref_slice %arg2[%add3A, %dma_start3A_4, %dma_start3A_5] : memref<32x80x128xi32, #tpu.memory_space<hbm>> -> memref<1x80x128xi32, #tpu.memory_space<hbm>>
    %dma_start3A_7 = tpu.memref_squeeze %dma_start3A_6 : memref<1x80x128xi32, #tpu.memory_space<hbm>> -> memref<80x128xi32, #tpu.memory_space<hbm>>
    tpu.enqueue_dma source(%dma_start3A_7 : memref<80x128xi32, #tpu.memory_space<hbm>>) target(%arg6 : memref<80x128xi32, #tpu.memory_space<vmem>>) target_semaphore(%arg11 : memref<!tpu.dma_semaphore, #tpu.memory_space<semaphore_mem>>)
    %dma_start3A_8 = arith.constant 0 : i32
    %dma_start3A_9 = arith.constant 0 : i32
    %dma_start3A_10 = tpu.memref_slice %arg3[%add3A, %dma_start3A_8, %dma_start3A_9] : memref<32x80x128xi32, #tpu.memory_space<hbm>> -> memref<1x80x128xi32, #tpu.memory_space<hbm>>
    %dma_start3A_11 = tpu.memref_squeeze %dma_start3A_10 : memref<1x80x128xi32, #tpu.memory_space<hbm>> -> memref<80x128xi32, #tpu.memory_space<hbm>>
    %dma_start3A_12 = arith.constant 0 : i32
    %dma_start3A_13 = arith.constant 0 : i32
    %dma_start3A_14 = tpu.memref_slice %arg3[%add3A, %dma_start3A_12, %dma_start3A_13] : memref<32x80x128xi32, #tpu.memory_space<hbm>> -> memref<1x80x128xi32, #tpu.memory_space<hbm>>
    %dma_start3A_15 = tpu.memref_squeeze %dma_start3A_14 : memref<1x80x128xi32, #tpu.memory_space<hbm>> -> memref<80x128xi32, #tpu.memory_space<hbm>>
    tpu.enqueue_dma source(%dma_start3A_15 : memref<80x128xi32, #tpu.memory_space<hbm>>) target(%arg7 : memref<80x128xi32, #tpu.memory_space<vmem>>) target_semaphore(%arg11 : memref<!tpu.dma_semaphore, #tpu.memory_space<semaphore_mem>>)
    %broadcast_in_dim3A = arith.constant 0.000000e+00 : f32
    %broadcast_in_dim3A_16 = vector.broadcast %broadcast_in_dim3A : f32 to vector<16xf32>
    %scan3A = arith.constant 0 : i32
    %scan3A_17 = arith.constant 0 : i32
    %scan3A_18 = arith.constant 128 : i32
    %scan3A_19 = arith.addi %scan3A_17, %scan3A_18 : i32
    %scan3A_20 = arith.constant 1 : i32
    %scan3A_21 = scf.for %scan3A_113 = %scan3A_17 to %scan3A_19 step %scan3A_20 iter_args(%scan3A_114 = %scan3A) -> (i32)  : i32 {
      %scan3A_115 = arith.constant 0 : i32
      %scan3A_116 = arith.constant 0 : i32
      %scan3A_117 = arith.constant 8 : i32
      %scan3A_118 = arith.addi %scan3A_116, %scan3A_117 : i32
      %scan3A_119 = arith.constant 1 : i32
      %scan3A_120 = scf.for %scan3A_122 = %scan3A_116 to %scan3A_118 step %scan3A_119 iter_args(%scan3A_123 = %scan3A_115) -> (i32)  : i32 {
        %mul3A_124 = arith.constant 16 : i32
        %mul3A_125 = arith.muli %scan3A_122, %mul3A_124 : i32
        %swap3A = arith.index_cast %scan3A_113 : i32 to index
        %swap3A_126 = arith.index_cast %mul3A_125 : i32 to index
        %swap3A_127 = tpu.vector_load %arg8[%swap3A, %swap3A_126] {strides = array<i32>} : memref<128x128xf32, #tpu.memory_space<vmem>>, vector<1x16xf32>,
        %swap3A_128 = vector.shape_cast %swap3A_127 : vector<1x16xf32> to vector<16xf32>
        %swap3A_129 = vector.shape_cast %broadcast_in_dim3A_16 : vector<16xf32> to vector<1x16xf32>
        tpu.vector_store %arg8[%swap3A, %swap3A_126], %swap3A_129 {strides = array<i32>} : memref<128x128xf32, #tpu.memory_space<vmem>>, vector<1x16xf32>,
        %scan3A_130 = arith.constant 0 : i32
        scf.yield %scan3A_130 : i32
      }
      %scan3A_121 = arith.constant 8 : i32
      scf.yield %scan3A_120 : i32
    }
    %scan3A_22 = arith.constant 128 : i32
    %mul3A_23 = arith.constant 632 : i32
    %mul3A_24 = arith.muli %arg1, %mul3A_23 : i32
    %add3A_25 = arith.constant 0 : i32
    %add3A_26 = arith.addi %mul3A_24, %add3A_25 : i32
    %dma_start3A_27 = arith.constant 0 : i32
    %dma_start3A_28 = tpu.memref_slice %arg9[%add3A_26, %dma_start3A_27] : memref<10112x128xf32, #tpu.memory_space<vmem_shared>> -> memref<128x128xf32, #tpu.memory_space<vmem_shared>>
    %dma_start3A_29 = arith.constant 0 : i32
    %dma_start3A_30 = tpu.memref_slice %arg9[%add3A_26, %dma_start3A_29] : memref<10112x128xf32, #tpu.memory_space<vmem_shared>> -> memref<128x128xf32, #tpu.memory_space<vmem_shared>>
    tpu.enqueue_dma source(%arg8 : memref<128x128xf32, #tpu.memory_space<vmem>>) target(%dma_start3A_30 : memref<128x128xf32, #tpu.memory_space<vmem_shared>>) target_semaphore(%arg10 : memref<!tpu.dma_semaphore, #tpu.memory_space<semaphore_mem>>)
    %add3A_31 = arith.constant 128 : i32
    %add3A_32 = arith.addi %mul3A_24, %add3A_31 : i32
    %dma_start3A_33 = arith.constant 0 : i32
    %dma_start3A_34 = tpu.memref_slice %arg9[%add3A_32, %dma_start3A_33] : memref<10112x128xf32, #tpu.memory_space<vmem_shared>> -> memref<128x128xf32, #tpu.memory_space<vmem_shared>>
    %dma_start3A_35 = arith.constant 0 : i32
    %dma_start3A_36 = tpu.memref_slice %arg9[%add3A_32, %dma_start3A_35] : memref<10112x128xf32, #tpu.memory_space<vmem_shared>> -> memref<128x128xf32, #tpu.memory_space<vmem_shared>>
    tpu.enqueue_dma source(%arg8 : memref<128x128xf32, #tpu.memory_space<vmem>>) target(%dma_start3A_36 : memref<128x128xf32, #tpu.memory_space<vmem_shared>>) target_semaphore(%arg10 : memref<!tpu.dma_semaphore, #tpu.memory_space<semaphore_mem>>)
    %add3A_37 = arith.constant 256 : i32
    %add3A_38 = arith.addi %mul3A_24, %add3A_37 : i32
    %dma_start3A_39 = arith.constant 0 : i32
    %dma_start3A_40 = tpu.memref_slice %arg9[%add3A_38, %dma_start3A_39] : memref<10112x128xf32, #tpu.memory_space<vmem_shared>> -> memref<128x128xf32, #tpu.memory_space<vmem_shared>>
    %dma_start3A_41 = arith.constant 0 : i32
    %dma_start3A_42 = tpu.memref_slice %arg9[%add3A_38, %dma_start3A_41] : memref<10112x128xf32, #tpu.memory_space<vmem_shared>> -> memref<128x128xf32, #tpu.memory_space<vmem_shared>>
    tpu.enqueue_dma source(%arg8 : memref<128x128xf32, #tpu.memory_space<vmem>>) target(%dma_start3A_42 : memref<128x128xf32, #tpu.memory_space<vmem_shared>>) target_semaphore(%arg10 : memref<!tpu.dma_semaphore, #tpu.memory_space<semaphore_mem>>)
    %add3A_43 = arith.constant 384 : i32
    %add3A_44 = arith.addi %mul3A_24, %add3A_43 : i32
    %dma_start3A_45 = arith.constant 0 : i32
    %dma_start3A_46 = tpu.memref_slice %arg9[%add3A_44, %dma_start3A_45] : memref<10112x128xf32, #tpu.memory_space<vmem_shared>> -> memref<128x128xf32, #tpu.memory_space<vmem_shared>>
    %dma_start3A_47 = arith.constant 0 : i32
    %dma_start3A_48 = tpu.memref_slice %arg9[%add3A_44, %dma_start3A_47] : memref<10112x128xf32, #tpu.memory_space<vmem_shared>> -> memref<128x128xf32, #tpu.memory_space<vmem_shared>>
    tpu.enqueue_dma source(%arg8 : memref<128x128xf32, #tpu.memory_space<vmem>>) target(%dma_start3A_48 : memref<128x128xf32, #tpu.memory_space<vmem_shared>>) target_semaphore(%arg10 : memref<!tpu.dma_semaphore, #tpu.memory_space<semaphore_mem>>)
    %add3A_49 = arith.constant 632 : i32
    %add3A_50 = arith.addi %mul3A_24, %add3A_49 : i32
    %sub3A = arith.constant 120 : i32
    %sub3A_51 = arith.subi %add3A_50, %sub3A : i32
    %dma_start3A_52 = arith.constant 0 : i32
    %dma_start3A_53 = arith.constant 0 : i32
    %dma_start3A_54 = tpu.memref_slice %arg8[%dma_start3A_52, %dma_start3A_53] : memref<128x128xf32, #tpu.memory_space<vmem>> -> memref<120x128xf32, #tpu.memory_space<vmem>>
    %dma_start3A_55 = arith.constant 0 : i32
    %dma_start3A_56 = tpu.memref_slice %arg9[%sub3A_51, %dma_start3A_55] : memref<10112x128xf32, #tpu.memory_space<vmem_shared>> -> memref<120x128xf32, #tpu.memory_space<vmem_shared>>
    %dma_start3A_57 = arith.constant 0 : i32
    %dma_start3A_58 = tpu.memref_slice %arg9[%sub3A_51, %dma_start3A_57] : memref<10112x128xf32, #tpu.memory_space<vmem_shared>> -> memref<120x128xf32, #tpu.memory_space<vmem_shared>>
    %dma_start3A_59 = arith.constant 0 : i32
    %dma_start3A_60 = arith.constant 0 : i32
    %dma_start3A_61 = tpu.memref_slice %arg8[%dma_start3A_59, %dma_start3A_60] : memref<128x128xf32, #tpu.memory_space<vmem>> -> memref<120x128xf32, #tpu.memory_space<vmem>>
    tpu.enqueue_dma source(%dma_start3A_61 : memref<120x128xf32, #tpu.memory_space<vmem>>) target(%dma_start3A_58 : memref<120x128xf32, #tpu.memory_space<vmem_shared>>) target_semaphore(%arg10 : memref<!tpu.dma_semaphore, #tpu.memory_space<semaphore_mem>>)
    %dma_wait3A = arith.constant 0 : i32
    %dma_wait3A_62 = tpu.memref_slice %arg9[%add3A_26, %dma_wait3A] : memref<10112x128xf32, #tpu.memory_space<vmem_shared>> -> memref<128x128xf32, #tpu.memory_space<vmem_shared>>
    %dma_wait3A_63 = arith.constant 0 : i32
    %dma_wait3A_64 = tpu.memref_slice %arg9[%add3A_26, %dma_wait3A_63] : memref<10112x128xf32, #tpu.memory_space<vmem_shared>> -> memref<128x128xf32, #tpu.memory_space<vmem_shared>>
    tpu.wait_dma2 semaphore(%arg10 : memref<!tpu.dma_semaphore, #tpu.memory_space<semaphore_mem>>) src(%arg8 : memref<128x128xf32, #tpu.memory_space<vmem>>) dst(%dma_wait3A_64 : memref<128x128xf32, #tpu.memory_space<vmem_shared>>)
    %dma_wait3A_65 = arith.constant 0 : i32
    %dma_wait3A_66 = tpu.memref_slice %arg9[%add3A_32, %dma_wait3A_65] : memref<10112x128xf32, #tpu.memory_space<vmem_shared>> -> memref<128x128xf32, #tpu.memory_space<vmem_shared>>
    %dma_wait3A_67 = arith.constant 0 : i32
    %dma_wait3A_68 = tpu.memref_slice %arg9[%add3A_32, %dma_wait3A_67] : memref<10112x128xf32, #tpu.memory_space<vmem_shared>> -> memref<128x128xf32, #tpu.memory_space<vmem_shared>>
    tpu.wait_dma2 semaphore(%arg10 : memref<!tpu.dma_semaphore, #tpu.memory_space<semaphore_mem>>) src(%arg8 : memref<128x128xf32, #tpu.memory_space<vmem>>) dst(%dma_wait3A_68 : memref<128x128xf32, #tpu.memory_space<vmem_shared>>)
    %dma_wait3A_69 = arith.constant 0 : i32
    %dma_wait3A_70 = tpu.memref_slice %arg9[%add3A_38, %dma_wait3A_69] : memref<10112x128xf32, #tpu.memory_space<vmem_shared>> -> memref<128x128xf32, #tpu.memory_space<vmem_shared>>
    %dma_wait3A_71 = arith.constant 0 : i32
    %dma_wait3A_72 = tpu.memref_slice %arg9[%add3A_38, %dma_wait3A_71] : memref<10112x128xf32, #tpu.memory_space<vmem_shared>> -> memref<128x128xf32, #tpu.memory_space<vmem_shared>>
    tpu.wait_dma2 semaphore(%arg10 : memref<!tpu.dma_semaphore, #tpu.memory_space<semaphore_mem>>) src(%arg8 : memref<128x128xf32, #tpu.memory_space<vmem>>) dst(%dma_wait3A_72 : memref<128x128xf32, #tpu.memory_space<vmem_shared>>)
    %dma_wait3A_73 = arith.constant 0 : i32
    %dma_wait3A_74 = tpu.memref_slice %arg9[%add3A_44, %dma_wait3A_73] : memref<10112x128xf32, #tpu.memory_space<vmem_shared>> -> memref<128x128xf32, #tpu.memory_space<vmem_shared>>
    %dma_wait3A_75 = arith.constant 0 : i32
    %dma_wait3A_76 = tpu.memref_slice %arg9[%add3A_44, %dma_wait3A_75] : memref<10112x128xf32, #tpu.memory_space<vmem_shared>> -> memref<128x128xf32, #tpu.memory_space<vmem_shared>>
    tpu.wait_dma2 semaphore(%arg10 : memref<!tpu.dma_semaphore, #tpu.memory_space<semaphore_mem>>) src(%arg8 : memref<128x128xf32, #tpu.memory_space<vmem>>) dst(%dma_wait3A_76 : memref<128x128xf32, #tpu.memory_space<vmem_shared>>)
    %dma_wait3A_77 = arith.constant 0 : i32
    %dma_wait3A_78 = arith.constant 0 : i32
    %dma_wait3A_79 = tpu.memref_slice %arg8[%dma_wait3A_77, %dma_wait3A_78] : memref<128x128xf32, #tpu.memory_space<vmem>> -> memref<120x128xf32, #tpu.memory_space<vmem>>
    %dma_wait3A_80 = arith.constant 0 : i32
    %dma_wait3A_81 = tpu.memref_slice %arg9[%sub3A_51, %dma_wait3A_80] : memref<10112x128xf32, #tpu.memory_space<vmem_shared>> -> memref<120x128xf32, #tpu.memory_space<vmem_shared>>
    %dma_wait3A_82 = arith.constant 0 : i32
    %dma_wait3A_83 = tpu.memref_slice %arg9[%sub3A_51, %dma_wait3A_82] : memref<10112x128xf32, #tpu.memory_space<vmem_shared>> -> memref<120x128xf32, #tpu.memory_space<vmem_shared>>
    %dma_wait3A_84 = arith.constant 0 : i32
    %dma_wait3A_85 = arith.constant 0 : i32
    %dma_wait3A_86 = tpu.memref_slice %arg8[%dma_wait3A_84, %dma_wait3A_85] : memref<128x128xf32, #tpu.memory_space<vmem>> -> memref<120x128xf32, #tpu.memory_space<vmem>>
    tpu.wait_dma2 semaphore(%arg10 : memref<!tpu.dma_semaphore, #tpu.memory_space<semaphore_mem>>) src(%dma_wait3A_86 : memref<120x128xf32, #tpu.memory_space<vmem>>) dst(%dma_wait3A_83 : memref<120x128xf32, #tpu.memory_space<vmem_shared>>)
    %dma_wait3A_87 = arith.constant 0 : i32
    %dma_wait3A_88 = arith.constant 0 : i32
    %dma_wait3A_89 = tpu.memref_slice %arg2[%add3A, %dma_wait3A_87, %dma_wait3A_88] : memref<32x80x128xi32, #tpu.memory_space<hbm>> -> memref<1x80x128xi32, #tpu.memory_space<hbm>>
    %dma_wait3A_90 = tpu.memref_squeeze %dma_wait3A_89 : memref<1x80x128xi32, #tpu.memory_space<hbm>> -> memref<80x128xi32, #tpu.memory_space<hbm>>
    %dma_wait3A_91 = arith.constant 0 : i32
    %dma_wait3A_92 = arith.constant 0 : i32
    %dma_wait3A_93 = tpu.memref_slice %arg2[%add3A, %dma_wait3A_91, %dma_wait3A_92] : memref<32x80x128xi32, #tpu.memory_space<hbm>> -> memref<1x80x128xi32, #tpu.memory_space<hbm>>
    %dma_wait3A_94 = tpu.memref_squeeze %dma_wait3A_93 : memref<1x80x128xi32, #tpu.memory_space<hbm>> -> memref<80x128xi32, #tpu.memory_space<hbm>>
    tpu.wait_dma2 semaphore(%arg11 : memref<!tpu.dma_semaphore, #tpu.memory_space<semaphore_mem>>) src(%dma_wait3A_94 : memref<80x128xi32, #tpu.memory_space<hbm>>) dst(%arg6 : memref<80x128xi32, #tpu.memory_space<vmem>>)
    %dma_wait3A_95 = arith.constant 0 : i32
    %dma_wait3A_96 = arith.constant 0 : i32
    %dma_wait3A_97 = tpu.memref_slice %arg3[%add3A, %dma_wait3A_95, %dma_wait3A_96] : memref<32x80x128xi32, #tpu.memory_space<hbm>> -> memref<1x80x128xi32, #tpu.memory_space<hbm>>
    %dma_wait3A_98 = tpu.memref_squeeze %dma_wait3A_97 : memref<1x80x128xi32, #tpu.memory_space<hbm>> -> memref<80x128xi32, #tpu.memory_space<hbm>>
    %dma_wait3A_99 = arith.constant 0 : i32
    %dma_wait3A_100 = arith.constant 0 : i32
    %dma_wait3A_101 = tpu.memref_slice %arg3[%add3A, %dma_wait3A_99, %dma_wait3A_100] : memref<32x80x128xi32, #tpu.memory_space<hbm>> -> memref<1x80x128xi32, #tpu.memory_space<hbm>>
    %dma_wait3A_102 = tpu.memref_squeeze %dma_wait3A_101 : memref<1x80x128xi32, #tpu.memory_space<hbm>> -> memref<80x128xi32, #tpu.memory_space<hbm>>
    tpu.wait_dma2 semaphore(%arg11 : memref<!tpu.dma_semaphore, #tpu.memory_space<semaphore_mem>>) src(%dma_wait3A_102 : memref<80x128xi32, #tpu.memory_space<hbm>>) dst(%arg7 : memref<80x128xi32, #tpu.memory_space<vmem>>)
    %barrier3A = arith.constant 0 : index
    tpu.barrier barrier_id(%barrier3A)
    %scan3A_103 = arith.constant 0 : i32
    %scan3A_104 = arith.constant 0 : i32
    %scan3A_105 = arith.constant 80 : i32
    %scan3A_106 = arith.addi %scan3A_104, %scan3A_105 : i32
    %scan3A_107 = arith.constant 1 : i32
    %scan3A_108 = scf.for %scan3A_113 = %scan3A_104 to %scan3A_106 step %scan3A_107 iter_args(%scan3A_114 = %scan3A_103) -> (i32)  : i32 {
      %dma_start3A_115 = arith.constant 0 : i32
      %dma_start3A_116 = tpu.memref_slice %arg6[%scan3A_113, %dma_start3A_115] : memref<80x128xi32, #tpu.memory_space<vmem>> -> memref<1x128xi32, #tpu.memory_space<vmem>>
      %dma_start3A_117 = tpu.memref_squeeze %dma_start3A_116 : memref<1x128xi32, #tpu.memory_space<vmem>> -> memref<128xi32, #tpu.memory_space<vmem>>
      %dma_start3A_118 = arith.constant 0 : i32
      %dma_start3A_119 = arith.constant 0 : i32
      %dma_start3A_120 = tpu.memref_slice %arg4[%dma_start3A_118, %dma_start3A_119] : memref<10000x128xf32, #tpu.memory_space<hbm>> -> memref<10000x128xf32, #tpu.memory_space<hbm>>
      tpu.enqueue_indirect_dma source(%dma_start3A_120 : memref<10000x128xf32, #tpu.memory_space<hbm>>) target(%arg8 : memref<128x128xf32, #tpu.memory_space<vmem>>) offsets(%dma_start3A_117 : memref<128xi32, #tpu.memory_space<vmem>>) semaphore(%arg10 : memref<!tpu.dma_semaphore, #tpu.memory_space<semaphore_mem>>)
      %dma_wait3A_121 = arith.constant 0 : i32
      %dma_wait3A_122 = tpu.memref_slice %arg6[%scan3A_113, %dma_wait3A_121] : memref<80x128xi32, #tpu.memory_space<vmem>> -> memref<1x128xi32, #tpu.memory_space<vmem>>
      %dma_wait3A_123 = tpu.memref_squeeze %dma_wait3A_122 : memref<1x128xi32, #tpu.memory_space<vmem>> -> memref<128xi32, #tpu.memory_space<vmem>>
      %dma_wait3A_124 = arith.constant 0 : i32
      %dma_wait3A_125 = arith.constant 0 : i32
      %dma_wait3A_126 = tpu.memref_slice %arg4[%dma_wait3A_124, %dma_wait3A_125] : memref<10000x128xf32, #tpu.memory_space<hbm>> -> memref<10000x128xf32, #tpu.memory_space<hbm>>
      tpu.wait_indirect_dma semaphore(%arg10 : memref<!tpu.dma_semaphore, #tpu.memory_space<semaphore_mem>>) src(%dma_wait3A_126 : memref<10000x128xf32, #tpu.memory_space<hbm>>) dst(%arg8 : memref<128x128xf32, #tpu.memory_space<vmem>>)
      "tpu.region"() ({
        %run_scoped3A = tpu.sem_alloc : memref<!tpu.dma_semaphore, #tpu.memory_space<semaphore_mem>>
        %dma_start3A_128 = arith.constant 0 : i32
        %dma_start3A_129 = tpu.memref_slice %arg7[%scan3A_113, %dma_start3A_128] : memref<80x128xi32, #tpu.memory_space<vmem>> -> memref<1x128xi32, #tpu.memory_space<vmem>>
        %dma_start3A_130 = tpu.memref_squeeze %dma_start3A_129 : memref<1x128xi32, #tpu.memory_space<vmem>> -> memref<128xi32, #tpu.memory_space<vmem>>
        %dma_start3A_131 = arith.constant 0 : i32
        %dma_start3A_132 = arith.constant 0 : i32
        %dma_start3A_133 = tpu.memref_slice %arg9[%dma_start3A_131, %dma_start3A_132] : memref<10112x128xf32, #tpu.memory_space<vmem_shared>> -> memref<10112x128xf32, #tpu.memory_space<vmem_shared>>
        tpu.enqueue_indirect_dma source(%arg8 : memref<128x128xf32, #tpu.memory_space<vmem>>) target(%dma_start3A_133 : memref<10112x128xf32, #tpu.memory_space<vmem_shared>>) offsets(%dma_start3A_130 : memref<128xi32, #tpu.memory_space<vmem>>) semaphore(%run_scoped3A : memref<!tpu.dma_semaphore, #tpu.memory_space<semaphore_mem>>) {add = true}
        %dma_wait3A_134 = arith.constant 0 : i32
        %dma_wait3A_135 = tpu.memref_slice %arg7[%scan3A_113, %dma_wait3A_134] : memref<80x128xi32, #tpu.memory_space<vmem>> -> memref<1x128xi32, #tpu.memory_space<vmem>>
        %dma_wait3A_136 = tpu.memref_squeeze %dma_wait3A_135 : memref<1x128xi32, #tpu.memory_space<vmem>> -> memref<128xi32, #tpu.memory_space<vmem>>
        %dma_wait3A_137 = arith.constant 0 : i32
        %dma_wait3A_138 = arith.constant 0 : i32
        %dma_wait3A_139 = tpu.memref_slice %arg9[%dma_wait3A_137, %dma_wait3A_138] : memref<10112x128xf32, #tpu.memory_space<vmem_shared>> -> memref<10112x128xf32, #tpu.memory_space<vmem_shared>>
        tpu.wait_indirect_dma semaphore(%run_scoped3A : memref<!tpu.dma_semaphore, #tpu.memory_space<semaphore_mem>>) src(%arg8 : memref<128x128xf32, #tpu.memory_space<vmem>>) dst(%dma_wait3A_139 : memref<10112x128xf32, #tpu.memory_space<vmem_shared>>)
        tpu.yield
      }) : () -> ()
      %scan3A_127 = arith.constant 0 : i32
      scf.yield %scan3A_127 : i32
    }
    %scan3A_109 = arith.constant 80 : i32
    %barrier3A_110 = arith.constant 0 : index
    tpu.barrier barrier_id(%barrier3A_110)
    %mul3A_111 = arith.constant 632 : i32
    %mul3A_112 = arith.muli %arg1, %mul3A_111 : i32
    "tpu.region"() ({
      %run_scoped3A = tpu.sem_alloc : memref<!tpu.dma_semaphore, #tpu.memory_space<semaphore_mem>>
      %dma_start3A_113 = arith.constant 0 : i32
      %dma_start3A_114 = tpu.memref_slice %arg5[%arg0, %mul3A_112, %dma_start3A_113] : memref<2x10112x128xf32, #tpu.memory_space<hbm>> -> memref<1x632x128xf32, #tpu.memory_space<hbm>>
      %dma_start3A_115 = tpu.memref_squeeze %dma_start3A_114 : memref<1x632x128xf32, #tpu.memory_space<hbm>> -> memref<632x128xf32, #tpu.memory_space<hbm>>
      %dma_start3A_116 = arith.constant 0 : i32
      %dma_start3A_117 = tpu.memref_slice %arg9[%mul3A_112, %dma_start3A_116] : memref<10112x128xf32, #tpu.memory_space<vmem_shared>> -> memref<632x128xf32, #tpu.memory_space<vmem_shared>>
      tpu.enqueue_dma source(%dma_start3A_117 : memref<632x128xf32, #tpu.memory_space<vmem_shared>>) target(%dma_start3A_115 : memref<632x128xf32, #tpu.memory_space<hbm>>) target_semaphore(%run_scoped3A : memref<!tpu.dma_semaphore, #tpu.memory_space<semaphore_mem>>)
      %dma_wait3A_118 = arith.constant 0 : i32
      %dma_wait3A_119 = tpu.memref_slice %arg5[%arg0, %mul3A_112, %dma_wait3A_118] : memref<2x10112x128xf32, #tpu.memory_space<hbm>> -> memref<1x632x128xf32, #tpu.memory_space<hbm>>
      %dma_wait3A_120 = tpu.memref_squeeze %dma_wait3A_119 : memref<1x632x128xf32, #tpu.memory_space<hbm>> -> memref<632x128xf32, #tpu.memory_space<hbm>>
      %dma_wait3A_121 = arith.constant 0 : i32
      %dma_wait3A_122 = tpu.memref_slice %arg9[%mul3A_112, %dma_wait3A_121] : memref<10112x128xf32, #tpu.memory_space<vmem_shared>> -> memref<632x128xf32, #tpu.memory_space<vmem_shared>>
      tpu.wait_dma2 semaphore(%run_scoped3A : memref<!tpu.dma_semaphore, #tpu.memory_space<semaphore_mem>>) src(%dma_wait3A_122 : memref<632x128xf32, #tpu.memory_space<vmem_shared>>) dst(%dma_wait3A_120 : memref<632x128xf32, #tpu.memory_space<hbm>>)
      tpu.yield
    }) : () -> ()
    return
  }
}

module attributes {stable_mosaic.version = 14 : i64} {
  func.func @_mlp_body(%arg0: i32, %arg1: memref<1x1xf32, #tpu.memory_space<vmem>>, %arg2: memref<1000x128xf32, #tpu.memory_space<vmem>>, %arg3: memref<1x1000x128xf32, #tpu.memory_space<vmem>>, %arg4: memref<1x1000x128xf32, #tpu.memory_space<vmem>>, %arg5: memref<128x128xf32, #tpu.memory_space<vmem>>, %arg6: memref<1x128xf32, #tpu.memory_space<vmem>>, %arg7: memref<128x128xf32, #tpu.memory_space<vmem>>, %arg8: memref<1x128xf32, #tpu.memory_space<vmem>>, %arg9: memref<1000x128xf32, #tpu.memory_space<vmem>>) attributes {dimension_semantics = [#tpu.dimension_semantics<arbitrary>], iteration_bounds = array<i64: 10>, scalar_prefetch = 0 : i64, scratch_operands = 0 : i64, tpu.core_type = #tpu.core_type<tc>, window_params = [{pipeline_mode = #tpu.pipeline_mode<synchronous>, transform_indices = @transform_0, window_bounds = array<i64: 1, 1>}, {transform_indices = @transform_1, window_bounds = array<i64: 1000, 128>}, {transform_indices = @transform_2, window_bounds = array<i64: 1, 1000, 128>}, {transform_indices = @transform_3, window_bounds = array<i64: 1, 1000, 128>}, {pipeline_mode = #tpu.pipeline_mode<synchronous>, transform_indices = @transform_4, window_bounds = array<i64: 128, 128>}, {pipeline_mode = #tpu.pipeline_mode<synchronous>, transform_indices = @transform_5, window_bounds = array<i64: 1, 128>}, {pipeline_mode = #tpu.pipeline_mode<synchronous>, transform_indices = @transform_6, window_bounds = array<i64: 128, 128>}, {pipeline_mode = #tpu.pipeline_mode<synchronous>, transform_indices = @transform_7, window_bounds = array<i64: 1, 128>}, {transform_indices = @transform_8, window_bounds = array<i64: 1000, 128>}]} {
    %get3A = arith.constant 0 : index
    %get3A_0 = arith.constant 0 : index
    %get3A_1 = vector.load %arg2[%get3A, %get3A_0] : memref<1000x128xf32, #tpu.memory_space<vmem>>, vector<1000x128xf32>
    %get3A_2 = arith.constant 0 : index
    %get3A_3 = arith.constant 0 : index
    %get3A_4 = vector.load %arg1[%get3A_2, %get3A_3] : memref<1x1xf32, #tpu.memory_space<vmem>>, vector<1x1xf32>
    %get3A_5 = vector.extract %get3A_4[0, 0] : f32 from vector<1x1xf32>
    %add3A = arith.constant 1.000000e+00 : f32
    %add3A_6 = arith.addf %add3A, %get3A_5 : f32
    %mul3A = vector.broadcast %add3A_6 : f32 to vector<1000x128xf32>
    %mul3A_7 = arith.mulf %get3A_1, %mul3A : vector<1000x128xf32>
    %get3A_8 = arith.constant 0 : index
    %get3A_9 = arith.constant 0 : index
    %get3A_10 = arith.constant 0 : index
    %get3A_11 = vector.load %arg3[%get3A_8, %get3A_9, %get3A_10] : memref<1x1000x128xf32, #tpu.memory_space<vmem>>, vector<1x1000x128xf32>
    %get3A_12 = vector.shape_cast %get3A_11 : vector<1x1000x128xf32> to vector<1000x128xf32>
    %add3A_13 = arith.addf %mul3A_7, %get3A_12 : vector<1000x128xf32>
    %get3A_14 = arith.constant 0 : index
    %get3A_15 = arith.constant 0 : index
    %get3A_16 = arith.constant 0 : index
    %get3A_17 = vector.load %arg4[%get3A_14, %get3A_15, %get3A_16] : memref<1x1000x128xf32, #tpu.memory_space<vmem>>, vector<1x1000x128xf32>
    %get3A_18 = vector.shape_cast %get3A_17 : vector<1x1000x128xf32> to vector<1000x128xf32>
    %add3A_19 = arith.addf %add3A_13, %get3A_18 : vector<1000x128xf32>
    %get3A_20 = arith.constant 0 : index
    %get3A_21 = arith.constant 0 : index
    %get3A_22 = vector.load %arg5[%get3A_20, %get3A_21] : memref<128x128xf32, #tpu.memory_space<vmem>>, vector<128x128xf32>
    %dot_general3A = arith.constant dense<0.000000e+00> : vector<1000x128xf32>
    %dot_general3A_23 = tpu.matmul %add3A_19, %get3A_22, %dot_general3A {dimension_numbers = #tpu.dot_dimension_numbers<[1], [0], [0], [1], [0, 0, 1, 1], [], []>, transpose_lhs_hint = false} : vector<1000x128xf32>, vector<128x128xf32>, vector<1000x128xf32> -> vector<1000x128xf32>
    %get3A_24 = arith.constant 0 : index
    %get3A_25 = arith.constant 0 : index
    %get3A_26 = vector.load %arg6[%get3A_24, %get3A_25] : memref<1x128xf32, #tpu.memory_space<vmem>>, vector<1x128xf32>
    %add3A_27 = vector.broadcast %get3A_26 : vector<1x128xf32> to vector<1000x128xf32>
    %add3A_28 = arith.addf %dot_general3A_23, %add3A_27 : vector<1000x128xf32>
    %max3A = arith.constant 0.000000e+00 : f32
    %max3A_29 = vector.broadcast %max3A : f32 to vector<1000x128xf32>
    %max3A_30 = arith.maximumf %add3A_28, %max3A_29 : vector<1000x128xf32>
    %get3A_31 = arith.constant 0 : index
    %get3A_32 = arith.constant 0 : index
    %get3A_33 = vector.load %arg7[%get3A_31, %get3A_32] : memref<128x128xf32, #tpu.memory_space<vmem>>, vector<128x128xf32>
    %dot_general3A_34 = arith.constant dense<0.000000e+00> : vector<1000x128xf32>
    %dot_general3A_35 = tpu.matmul %max3A_30, %get3A_33, %dot_general3A_34 {dimension_numbers = #tpu.dot_dimension_numbers<[1], [0], [0], [1], [0, 0, 1, 1], [], []>, transpose_lhs_hint = false} : vector<1000x128xf32>, vector<128x128xf32>, vector<1000x128xf32> -> vector<1000x128xf32>
    %get3A_36 = arith.constant 0 : index
    %get3A_37 = arith.constant 0 : index
    %get3A_38 = vector.load %arg8[%get3A_36, %get3A_37] : memref<1x128xf32, #tpu.memory_space<vmem>>, vector<1x128xf32>
    %add3A_39 = vector.broadcast %get3A_38 : vector<1x128xf32> to vector<1000x128xf32>
    %add3A_40 = arith.addf %dot_general3A_35, %add3A_39 : vector<1000x128xf32>
    %max3A_41 = arith.constant 0.000000e+00 : f32
    %max3A_42 = vector.broadcast %max3A_41 : f32 to vector<1000x128xf32>
    %max3A_43 = arith.maximumf %add3A_40, %max3A_42 : vector<1000x128xf32>
    %swap3A = arith.constant 0 : index
    %swap3A_44 = arith.constant 0 : index
    %swap3A_45 = vector.load %arg9[%swap3A, %swap3A_44] : memref<1000x128xf32, #tpu.memory_space<vmem>>, vector<1000x128xf32>
    tpu.vector_store %arg9[%swap3A, %swap3A_44], %max3A_43 {strides = array<i32>} : memref<1000x128xf32, #tpu.memory_space<vmem>>, vector<1000x128xf32>,
    return
  }
  func.func @transform_0(%arg0: i32) -> (i32, i32) {
    %c0_i32 = arith.constant 0 : i32
    %c0_i32_0 = arith.constant 0 : i32
    %c0_i32_1 = arith.constant 0 : i32
    return %c0_i32, %c0_i32_0 : i32, i32
  }
  func.func @transform_1(%arg0: i32) -> (i32, i32) {
    %c0_i32 = arith.constant 0 : i32
    %c0_i32_0 = arith.constant 0 : i32
    return %arg0, %c0_i32 : i32, i32
  }
  func.func @transform_2(%arg0: i32) -> (i32, i32, i32) {
    %c0_i32 = arith.constant 0 : i32
    %c0_i32_0 = arith.constant 0 : i32
    %c0_i32_1 = arith.constant 0 : i32
    return %c0_i32, %arg0, %c0_i32_0 : i32, i32, i32
  }
  func.func @transform_3(%arg0: i32) -> (i32, i32, i32) {
    %c1_i32 = arith.constant 1 : i32
    %c0_i32 = arith.constant 0 : i32
    %c0_i32_0 = arith.constant 0 : i32
    return %c1_i32, %arg0, %c0_i32 : i32, i32, i32
  }
  func.func @transform_4(%arg0: i32) -> (i32, i32) {
    %c0_i32 = arith.constant 0 : i32
    %c0_i32_0 = arith.constant 0 : i32
    %c0_i32_1 = arith.constant 0 : i32
    return %c0_i32, %c0_i32_0 : i32, i32
  }
  func.func @transform_5(%arg0: i32) -> (i32, i32) {
    %c0_i32 = arith.constant 0 : i32
    %c0_i32_0 = arith.constant 0 : i32
    %c0_i32_1 = arith.constant 0 : i32
    return %c0_i32, %c0_i32_0 : i32, i32
  }
  func.func @transform_6(%arg0: i32) -> (i32, i32) {
    %c0_i32 = arith.constant 0 : i32
    %c0_i32_0 = arith.constant 0 : i32
    %c0_i32_1 = arith.constant 0 : i32
    return %c0_i32, %c0_i32_0 : i32, i32
  }
  func.func @transform_7(%arg0: i32) -> (i32, i32) {
    %c0_i32 = arith.constant 0 : i32
    %c0_i32_0 = arith.constant 0 : i32
    %c0_i32_1 = arith.constant 0 : i32
    return %c0_i32, %c0_i32_0 : i32, i32
  }
  func.func @transform_8(%arg0: i32) -> (i32, i32) {
    %c0_i32 = arith.constant 0 : i32
    %c0_i32_0 = arith.constant 0 : i32
    return %arg0, %c0_i32 : i32, i32
  }
}

module attributes {stable_mosaic.version = 14 : i64} {
  func.func @_mlp_pool_body(%arg0: i32, %arg1: memref<1x1xf32, #tpu.memory_space<vmem>>, %arg2: memref<1000x128xf32, #tpu.memory_space<vmem>>, %arg3: memref<1x1000x128xf32, #tpu.memory_space<vmem>>, %arg4: memref<1x1000x128xf32, #tpu.memory_space<vmem>>, %arg5: memref<128x128xf32, #tpu.memory_space<vmem>>, %arg6: memref<1x128xf32, #tpu.memory_space<vmem>>, %arg7: memref<128x128xf32, #tpu.memory_space<vmem>>, %arg8: memref<1x128xf32, #tpu.memory_space<vmem>>, %arg9: memref<1x1x1000xi32, #tpu.memory_space<vmem>>, %arg10: memref<128x128xf32, #tpu.memory_space<vmem>>, %arg11: memref<1x128xf32, #tpu.memory_space<vmem>>, %arg12: memref<128x64xf32, #tpu.memory_space<vmem>>, %arg13: memref<1x64xf32, #tpu.memory_space<vmem>>, %arg14: memref<1000x128xf32, #tpu.memory_space<vmem>>, %arg15: memref<64x64xf32, #tpu.memory_space<vmem>>, %arg16: memref<64x128xf32, #tpu.memory_space<vmem>>, %arg17: memref<64x1xf32, #tpu.memory_space<vmem>>) attributes {dimension_semantics = [#tpu.dimension_semantics<arbitrary>], iteration_bounds = array<i64: 10>, scalar_prefetch = 0 : i64, scratch_operands = 2 : i64, tpu.core_type = #tpu.core_type<tc>, window_params = [{pipeline_mode = #tpu.pipeline_mode<synchronous>, transform_indices = @transform_0, window_bounds = array<i64: 1, 1>}, {transform_indices = @transform_1, window_bounds = array<i64: 1000, 128>}, {transform_indices = @transform_2, window_bounds = array<i64: 1, 1000, 128>}, {transform_indices = @transform_3, window_bounds = array<i64: 1, 1000, 128>}, {pipeline_mode = #tpu.pipeline_mode<synchronous>, transform_indices = @transform_4, window_bounds = array<i64: 128, 128>}, {pipeline_mode = #tpu.pipeline_mode<synchronous>, transform_indices = @transform_5, window_bounds = array<i64: 1, 128>}, {pipeline_mode = #tpu.pipeline_mode<synchronous>, transform_indices = @transform_6, window_bounds = array<i64: 128, 128>}, {pipeline_mode = #tpu.pipeline_mode<synchronous>, transform_indices = @transform_7, window_bounds = array<i64: 1, 128>}, {transform_indices = @transform_8, window_bounds = array<i64: 1, 1, 1000>}, {pipeline_mode = #tpu.pipeline_mode<synchronous>, transform_indices = @transform_9, window_bounds = array<i64: 128, 128>}, {pipeline_mode = #tpu.pipeline_mode<synchronous>, transform_indices = @transform_10, window_bounds = array<i64: 1, 128>}, {pipeline_mode = #tpu.pipeline_mode<synchronous>, transform_indices = @transform_11, window_bounds = array<i64: 128, 64>}, {pipeline_mode = #tpu.pipeline_mode<synchronous>, transform_indices = @transform_12, window_bounds = array<i64: 1, 64>}, {transform_indices = @transform_13, window_bounds = array<i64: 1000, 128>}, {pipeline_mode = #tpu.pipeline_mode<synchronous>, transform_indices = @transform_14, window_bounds = array<i64: 64, 64>}]} {
    %get3A = arith.constant 0 : index
    %get3A_0 = arith.constant 0 : index
    %get3A_1 = vector.load %arg2[%get3A, %get3A_0] : memref<1000x128xf32, #tpu.memory_space<vmem>>, vector<1000x128xf32>
    %get3A_2 = arith.constant 0 : index
    %get3A_3 = arith.constant 0 : index
    %get3A_4 = vector.load %arg1[%get3A_2, %get3A_3] : memref<1x1xf32, #tpu.memory_space<vmem>>, vector<1x1xf32>
    %get3A_5 = vector.extract %get3A_4[0, 0] : f32 from vector<1x1xf32>
    %add3A = arith.constant 1.000000e+00 : f32
    %add3A_6 = arith.addf %add3A, %get3A_5 : f32
    %mul3A = vector.broadcast %add3A_6 : f32 to vector<1000x128xf32>
    %mul3A_7 = arith.mulf %get3A_1, %mul3A : vector<1000x128xf32>
    %get3A_8 = arith.constant 0 : index
    %get3A_9 = arith.constant 0 : index
    %get3A_10 = arith.constant 0 : index
    %get3A_11 = vector.load %arg3[%get3A_8, %get3A_9, %get3A_10] : memref<1x1000x128xf32, #tpu.memory_space<vmem>>, vector<1x1000x128xf32>
    %get3A_12 = vector.shape_cast %get3A_11 : vector<1x1000x128xf32> to vector<1000x128xf32>
    %add3A_13 = arith.addf %mul3A_7, %get3A_12 : vector<1000x128xf32>
    %get3A_14 = arith.constant 0 : index
    %get3A_15 = arith.constant 0 : index
    %get3A_16 = arith.constant 0 : index
    %get3A_17 = vector.load %arg4[%get3A_14, %get3A_15, %get3A_16] : memref<1x1000x128xf32, #tpu.memory_space<vmem>>, vector<1x1000x128xf32>
    %get3A_18 = vector.shape_cast %get3A_17 : vector<1x1000x128xf32> to vector<1000x128xf32>
    %add3A_19 = arith.addf %add3A_13, %get3A_18 : vector<1000x128xf32>
    %get3A_20 = arith.constant 0 : index
    %get3A_21 = arith.constant 0 : index
    %get3A_22 = vector.load %arg5[%get3A_20, %get3A_21] : memref<128x128xf32, #tpu.memory_space<vmem>>, vector<128x128xf32>
    %dot_general3A = arith.constant dense<0.000000e+00> : vector<1000x128xf32>
    %dot_general3A_23 = tpu.matmul %add3A_19, %get3A_22, %dot_general3A {dimension_numbers = #tpu.dot_dimension_numbers<[1], [0], [0], [1], [0, 0, 1, 1], [], []>, transpose_lhs_hint = false} : vector<1000x128xf32>, vector<128x128xf32>, vector<1000x128xf32> -> vector<1000x128xf32>
    %get3A_24 = arith.constant 0 : index
    %get3A_25 = arith.constant 0 : index
    %get3A_26 = vector.load %arg6[%get3A_24, %get3A_25] : memref<1x128xf32, #tpu.memory_space<vmem>>, vector<1x128xf32>
    %add3A_27 = vector.broadcast %get3A_26 : vector<1x128xf32> to vector<1000x128xf32>
    %add3A_28 = arith.addf %dot_general3A_23, %add3A_27 : vector<1000x128xf32>
    %max3A = arith.constant 0.000000e+00 : f32
    %max3A_29 = vector.broadcast %max3A : f32 to vector<1000x128xf32>
    %max3A_30 = arith.maximumf %add3A_28, %max3A_29 : vector<1000x128xf32>
    %get3A_31 = arith.constant 0 : index
    %get3A_32 = arith.constant 0 : index
    %get3A_33 = vector.load %arg7[%get3A_31, %get3A_32] : memref<128x128xf32, #tpu.memory_space<vmem>>, vector<128x128xf32>
    %dot_general3A_34 = arith.constant dense<0.000000e+00> : vector<1000x128xf32>
    %dot_general3A_35 = tpu.matmul %max3A_30, %get3A_33, %dot_general3A_34 {dimension_numbers = #tpu.dot_dimension_numbers<[1], [0], [0], [1], [0, 0, 1, 1], [], []>, transpose_lhs_hint = false} : vector<1000x128xf32>, vector<128x128xf32>, vector<1000x128xf32> -> vector<1000x128xf32>
    %get3A_36 = arith.constant 0 : index
    %get3A_37 = arith.constant 0 : index
    %get3A_38 = vector.load %arg8[%get3A_36, %get3A_37] : memref<1x128xf32, #tpu.memory_space<vmem>>, vector<1x128xf32>
    %add3A_39 = vector.broadcast %get3A_38 : vector<1x128xf32> to vector<1000x128xf32>
    %add3A_40 = arith.addf %dot_general3A_35, %add3A_39 : vector<1000x128xf32>
    %swap3A = arith.constant 0 : index
    %swap3A_41 = arith.constant 0 : index
    %swap3A_42 = vector.load %arg14[%swap3A, %swap3A_41] : memref<1000x128xf32, #tpu.memory_space<vmem>>, vector<1000x128xf32>
    tpu.vector_store %arg14[%swap3A, %swap3A_41], %add3A_40 {strides = array<i32>} : memref<1000x128xf32, #tpu.memory_space<vmem>>, vector<1000x128xf32>,
    %get3A_43 = arith.constant 0 : index
    %get3A_44 = arith.constant 0 : index
    %get3A_45 = arith.constant 0 : index
    %get3A_46 = vector.load %arg9[%get3A_43, %get3A_44, %get3A_45] : memref<1x1x1000xi32, #tpu.memory_space<vmem>>, vector<1x1x1000xi32>
    %get3A_47 = vector.shape_cast %get3A_46 : vector<1x1x1000xi32> to vector<1x1000xi32>
    %iota3A = tpu.iota {dimensions = array<i32: 0>} : vector<64x1000xi32>
    %eq3A = vector.broadcast %get3A_47 : vector<1x1000xi32> to vector<64x1000xi32>
    %eq3A_48 = arith.cmpi eq, %iota3A, %eq3A : vector<64x1000xi32>
    %convert_element_type3A = arith.extui %eq3A_48 : vector<64x1000xi1> to vector<64x1000xi32>
    %convert_element_type3A_49 = arith.sitofp %convert_element_type3A : vector<64x1000xi32> to vector<64x1000xf32>
    %dot_general3A_50 = arith.constant dense<0.000000e+00> : vector<64x128xf32>
    %dot_general3A_51 = tpu.matmul %convert_element_type3A_49, %add3A_40, %dot_general3A_50 {dimension_numbers = #tpu.dot_dimension_numbers<[1], [0], [0], [1], [0, 0, 1, 1], [], []>, transpose_lhs_hint = false} : vector<64x1000xf32>, vector<1000x128xf32>, vector<64x128xf32> -> vector<64x128xf32>
    %reduce_sum3A = arith.constant dense<0.000000e+00> : vector<64xf32>
    %reduce_sum3A_52 = vector.multi_reduction <add>, %convert_element_type3A_49, %reduce_sum3A [1] : vector<64x1000xf32> to vector<64xf32>
    %broadcast_in_dim3A = vector.shape_cast %reduce_sum3A_52 : vector<64xf32> to vector<64x1xf32>
    %eq3A_53 = arith.constant 0 : i32
    %eq3A_54 = arith.cmpi eq, %arg0, %eq3A_53 : i32
    %convert_element_type3A_55 = arith.extui %eq3A_54 : i1 to i32
    %cond3A = arith.constant 0 : i32
    %cond3A_56 = arith.cmpi ne, %convert_element_type3A_55, %cond3A : i32
    scf.if %cond3A_56 {
      %swap3A_66 = arith.constant 0 : index
      %swap3A_67 = arith.constant 0 : index
      %swap3A_68 = vector.load %arg16[%swap3A_66, %swap3A_67] : memref<64x128xf32, #tpu.memory_space<vmem>>, vector<64x128xf32>
      tpu.vector_store %arg16[%swap3A_66, %swap3A_67], %dot_general3A_51 {strides = array<i32>} : memref<64x128xf32, #tpu.memory_space<vmem>>, vector<64x128xf32>,
      %swap3A_69 = arith.constant 0 : index
      %swap3A_70 = arith.constant 0 : index
      %swap3A_71 = vector.load %arg17[%swap3A_69, %swap3A_70] : memref<64x1xf32, #tpu.memory_space<vmem>>, vector<64x1xf32>
      tpu.vector_store %arg17[%swap3A_69, %swap3A_70], %broadcast_in_dim3A {strides = array<i32>} : memref<64x1xf32, #tpu.memory_space<vmem>>, vector<64x1xf32>,
    } else {
    }
    %gt3A = arith.constant 0 : i32
    %gt3A_57 = arith.cmpi sgt, %arg0, %gt3A : i32
    %convert_element_type3A_58 = arith.extui %gt3A_57 : i1 to i32
    %cond3A_59 = arith.constant 0 : i32
    %cond3A_60 = arith.cmpi ne, %convert_element_type3A_58, %cond3A_59 : i32
    scf.if %cond3A_60 {
      %get3A_66 = arith.constant 0 : index
      %get3A_67 = arith.constant 0 : index
      %get3A_68 = vector.load %arg16[%get3A_66, %get3A_67] : memref<64x128xf32, #tpu.memory_space<vmem>>, vector<64x128xf32>
      %add3A_69 = arith.addf %get3A_68, %dot_general3A_51 : vector<64x128xf32>
      %swap3A_70 = arith.constant 0 : index
      %swap3A_71 = arith.constant 0 : index
      %swap3A_72 = vector.load %arg16[%swap3A_70, %swap3A_71] : memref<64x128xf32, #tpu.memory_space<vmem>>, vector<64x128xf32>
      tpu.vector_store %arg16[%swap3A_70, %swap3A_71], %add3A_69 {strides = array<i32>} : memref<64x128xf32, #tpu.memory_space<vmem>>, vector<64x128xf32>,
      %get3A_73 = arith.constant 0 : index
      %get3A_74 = arith.constant 0 : index
      %get3A_75 = vector.load %arg17[%get3A_73, %get3A_74] : memref<64x1xf32, #tpu.memory_space<vmem>>, vector<64x1xf32>
      %add3A_76 = arith.addf %get3A_75, %broadcast_in_dim3A : vector<64x1xf32>
      %swap3A_77 = arith.constant 0 : index
      %swap3A_78 = arith.constant 0 : index
      %swap3A_79 = vector.load %arg17[%swap3A_77, %swap3A_78] : memref<64x1xf32, #tpu.memory_space<vmem>>, vector<64x1xf32>
      tpu.vector_store %arg17[%swap3A_77, %swap3A_78], %add3A_76 {strides = array<i32>} : memref<64x1xf32, #tpu.memory_space<vmem>>, vector<64x1xf32>,
    } else {
    }
    %eq3A_61 = arith.constant 9 : i32
    %eq3A_62 = arith.cmpi eq, %arg0, %eq3A_61 : i32
    %convert_element_type3A_63 = arith.extui %eq3A_62 : i1 to i32
    %cond3A_64 = arith.constant 0 : i32
    %cond3A_65 = arith.cmpi ne, %convert_element_type3A_63, %cond3A_64 : i32
    scf.if %cond3A_65 {
      %get3A_66 = arith.constant 0 : index
      %get3A_67 = arith.constant 0 : index
      %get3A_68 = vector.load %arg16[%get3A_66, %get3A_67] : memref<64x128xf32, #tpu.memory_space<vmem>>, vector<64x128xf32>
      %get3A_69 = arith.constant 0 : index
      %get3A_70 = arith.constant 0 : index
      %get3A_71 = vector.load %arg17[%get3A_69, %get3A_70] : memref<64x1xf32, #tpu.memory_space<vmem>>, vector<64x1xf32>
      %max3A_72 = arith.constant 1.000000e+00 : f32
      %max3A_73 = vector.broadcast %max3A_72 : f32 to vector<64x1xf32>
      %max3A_74 = arith.maximumf %get3A_71, %max3A_73 : vector<64x1xf32>
      %div3A = vector.broadcast %max3A_74 : vector<64x1xf32> to vector<64x128xf32>
      %div3A_75 = arith.divf %get3A_68, %div3A : vector<64x128xf32>
      %get3A_76 = arith.constant 0 : index
      %get3A_77 = arith.constant 0 : index
      %get3A_78 = vector.load %arg10[%get3A_76, %get3A_77] : memref<128x128xf32, #tpu.memory_space<vmem>>, vector<128x128xf32>
      %dot_general3A_79 = arith.constant dense<0.000000e+00> : vector<64x128xf32>
      %dot_general3A_80 = tpu.matmul %div3A_75, %get3A_78, %dot_general3A_79 {dimension_numbers = #tpu.dot_dimension_numbers<[1], [0], [0], [1], [0, 0, 1, 1], [], []>, transpose_lhs_hint = false} : vector<64x128xf32>, vector<128x128xf32>, vector<64x128xf32> -> vector<64x128xf32>
      %get3A_81 = arith.constant 0 : index
      %get3A_82 = arith.constant 0 : index
      %get3A_83 = vector.load %arg11[%get3A_81, %get3A_82] : memref<1x128xf32, #tpu.memory_space<vmem>>, vector<1x128xf32>
      %add3A_84 = vector.broadcast %get3A_83 : vector<1x128xf32> to vector<64x128xf32>
      %add3A_85 = arith.addf %dot_general3A_80, %add3A_84 : vector<64x128xf32>
      %max3A_86 = arith.constant 0.000000e+00 : f32
      %max3A_87 = vector.broadcast %max3A_86 : f32 to vector<64x128xf32>
      %max3A_88 = arith.maximumf %add3A_85, %max3A_87 : vector<64x128xf32>
      %get3A_89 = arith.constant 0 : index
      %get3A_90 = arith.constant 0 : index
      %get3A_91 = vector.load %arg12[%get3A_89, %get3A_90] : memref<128x64xf32, #tpu.memory_space<vmem>>, vector<128x64xf32>
      %dot_general3A_92 = arith.constant dense<0.000000e+00> : vector<64x64xf32>
      %dot_general3A_93 = tpu.matmul %max3A_88, %get3A_91, %dot_general3A_92 {dimension_numbers = #tpu.dot_dimension_numbers<[1], [0], [0], [1], [0, 0, 1, 1], [], []>, transpose_lhs_hint = false} : vector<64x128xf32>, vector<128x64xf32>, vector<64x64xf32> -> vector<64x64xf32>
      %get3A_94 = arith.constant 0 : index
      %get3A_95 = arith.constant 0 : index
      %get3A_96 = vector.load %arg13[%get3A_94, %get3A_95] : memref<1x64xf32, #tpu.memory_space<vmem>>, vector<1x64xf32>
      %add3A_97 = vector.broadcast %get3A_96 : vector<1x64xf32> to vector<64x64xf32>
      %add3A_98 = arith.addf %dot_general3A_93, %add3A_97 : vector<64x64xf32>
      %swap3A_99 = arith.constant 0 : index
      %swap3A_100 = arith.constant 0 : index
      %swap3A_101 = vector.load %arg15[%swap3A_99, %swap3A_100] : memref<64x64xf32, #tpu.memory_space<vmem>>, vector<64x64xf32>
      tpu.vector_store %arg15[%swap3A_99, %swap3A_100], %add3A_98 {strides = array<i32>} : memref<64x64xf32, #tpu.memory_space<vmem>>, vector<64x64xf32>,
    } else {
    }
    return
  }
  func.func @transform_0(%arg0: i32) -> (i32, i32) {
    %c0_i32 = arith.constant 0 : i32
    %c0_i32_0 = arith.constant 0 : i32
    %c0_i32_1 = arith.constant 0 : i32
    return %c0_i32, %c0_i32_0 : i32, i32
  }
  func.func @transform_1(%arg0: i32) -> (i32, i32) {
    %c0_i32 = arith.constant 0 : i32
    %c0_i32_0 = arith.constant 0 : i32
    return %arg0, %c0_i32 : i32, i32
  }
  func.func @transform_2(%arg0: i32) -> (i32, i32, i32) {
    %c0_i32 = arith.constant 0 : i32
    %c0_i32_0 = arith.constant 0 : i32
    %c0_i32_1 = arith.constant 0 : i32
    return %c0_i32, %arg0, %c0_i32_0 : i32, i32, i32
  }
  func.func @transform_3(%arg0: i32) -> (i32, i32, i32) {
    %c1_i32 = arith.constant 1 : i32
    %c0_i32 = arith.constant 0 : i32
    %c0_i32_0 = arith.constant 0 : i32
    return %c1_i32, %arg0, %c0_i32 : i32, i32, i32
  }
  func.func @transform_4(%arg0: i32) -> (i32, i32) {
    %c0_i32 = arith.constant 0 : i32
    %c0_i32_0 = arith.constant 0 : i32
    %c0_i32_1 = arith.constant 0 : i32
    return %c0_i32, %c0_i32_0 : i32, i32
  }
  func.func @transform_5(%arg0: i32) -> (i32, i32) {
    %c0_i32 = arith.constant 0 : i32
    %c0_i32_0 = arith.constant 0 : i32
    %c0_i32_1 = arith.constant 0 : i32
    return %c0_i32, %c0_i32_0 : i32, i32
  }
  func.func @transform_6(%arg0: i32) -> (i32, i32) {
    %c0_i32 = arith.constant 0 : i32
    %c0_i32_0 = arith.constant 0 : i32
    %c0_i32_1 = arith.constant 0 : i32
    return %c0_i32, %c0_i32_0 : i32, i32
  }
  func.func @transform_7(%arg0: i32) -> (i32, i32) {
    %c0_i32 = arith.constant 0 : i32
    %c0_i32_0 = arith.constant 0 : i32
    %c0_i32_1 = arith.constant 0 : i32
    return %c0_i32, %c0_i32_0 : i32, i32
  }
  func.func @transform_8(%arg0: i32) -> (i32, i32, i32) {
    %c0_i32 = arith.constant 0 : i32
    %c0_i32_0 = arith.constant 0 : i32
    %c0_i32_1 = arith.constant 0 : i32
    return %arg0, %c0_i32, %c0_i32_0 : i32, i32, i32
  }
  func.func @transform_9(%arg0: i32) -> (i32, i32) {
    %c0_i32 = arith.constant 0 : i32
    %c0_i32_0 = arith.constant 0 : i32
    %c0_i32_1 = arith.constant 0 : i32
    return %c0_i32, %c0_i32_0 : i32, i32
  }
  func.func @transform_10(%arg0: i32) -> (i32, i32) {
    %c0_i32 = arith.constant 0 : i32
    %c0_i32_0 = arith.constant 0 : i32
    %c0_i32_1 = arith.constant 0 : i32
    return %c0_i32, %c0_i32_0 : i32, i32
  }
  func.func @transform_11(%arg0: i32) -> (i32, i32) {
    %c0_i32 = arith.constant 0 : i32
    %c0_i32_0 = arith.constant 0 : i32
    %c0_i32_1 = arith.constant 0 : i32
    return %c0_i32, %c0_i32_0 : i32, i32
  }
  func.func @transform_12(%arg0: i32) -> (i32, i32) {
    %c0_i32 = arith.constant 0 : i32
    %c0_i32_0 = arith.constant 0 : i32
    %c0_i32_1 = arith.constant 0 : i32
    return %c0_i32, %c0_i32_0 : i32, i32
  }
  func.func @transform_13(%arg0: i32) -> (i32, i32) {
    %c0_i32 = arith.constant 0 : i32
    %c0_i32_0 = arith.constant 0 : i32
    return %arg0, %c0_i32 : i32, i32
  }
  func.func @transform_14(%arg0: i32) -> (i32, i32) {
    %c0_i32 = arith.constant 0 : i32
    %c0_i32_0 = arith.constant 0 : i32
    %c0_i32_1 = arith.constant 0 : i32
    return %c0_i32, %c0_i32_0 : i32, i32
  }
}

</mosaic_0001>

<sc_bundles>
// kernel: kernel.10.cloned.1.call-start
scs
__scs_entry_jumppad:
0x0: {  	(pc) =	sbr.rel $0x88, $3  }
0x1: {  	(tag) =	ssettag $0x0;
	lr =	simm.s32 $0x1  }
0x2: {  	[smem:$0x3F95] =	sst lr;
	_ =	strace $0xD0000000  }
0x3: {  	_ = 	snop  }
0x4: {  	_ = 	snop  }
0x5: {  	_ = 	snop  }
0x6: {  	_ = 	snop  }
0x7: {  	_ = 	snop  }
__scs_overlays_trampoline_lowered:
0x8: {  	[smem:$0x3FA4] =	sst s0  }
0x9: {  	[smem:$0x3FA5] =	sst s1  }
0xa: {  	[smem:$0x3FA6] =	sst s2  }
0xb: {  	[smem:$0x3FA7] =	sst s3  }
0xc: {  	[smem:$0x3FA8] =	sst s4  }
0xd: {  	[smem:$0x3FA9] =	sst s5  }
0xe: {  	[smem:$0x3FAA] =	sst s6  }
0xf: {  	[smem:$0x3FAB] =	sst s7  }
0x10: {  	[smem:$0x3FAC] =	sst s8  }
0x11: {  	[smem:$0x3FAD] =	sst s9;
	s0 =	simm.s32 @!p0 $0x0  }
0x12: {  	s1 =	sld [smem:$0x3F93];
	s0 =	simm.s32 @p0 $0x1  }
0x13: {  	[smem:$0x3FAE] =	sst s0;
	s0 =	simm.s32 @!p1 $0x0  }
0x14: {  	s2 =	sld [smem:$0x3F92];
	s0 =	simm.s32 @p1 $0x1  }
0x15: {  	[smem:$0x3FAF] =	sst s0;
	s0 =	simm.s32 @!p2 $0x0  }
0x16: {  	s3 =	sld [smem:$0x3FDB];
	s0 =	simm.s32 @p2 $0x1  }
0x17: {  	s4 =	simm.s32 $0x1BF5;
	[smem:$0x3FB1] =	sst s0  }
0x18: {  	s0 =	sld [smem:$0x3F94];
	_ =	swait.ge [sflag:s4], $0x0  }
0x19: {  	s7 =	sld [smem:$0x3F95]  }
0x1a: {  	s8 =	sadd.s32 $0xFFFFE003, lr  }
0x1b: {  	s9 =	sadd.s32 $0xFFFFFEF7, lr;
	s5 =	simm.s32 $0xFFFFFFFF;
	p2 =	slt.u32 s8, $0xFFFFF086  }
0x1c: {  	p1 =	slt.u32 s9, $0xF7A;
	s5 =	simm.s32 @!p2 $0x0  }
0x1d: {  	s5 =	simm.s32 @p1 $0x1;
	p0 =	seq.s32 s7, s2  }
0x1e: {  	s7 =	smul.u32 @!p0 $0xF7A, s2;
	p2 =	seq.s32 @!p0 s5, $0x0  }
0x1f: {  	s9 =	smul.u32 $0xF7A, s1;
	s8 =	simm.s32 @!p0 $0x1BF5;
	p2 =	por !p2, p0  }
0x20: {  	[sflag:s8] =	ssyncset.s32 @!p0 $0xFFFFF086;
	s6 =	sadd.s32 @!p0 s3, s7;
	s7 =	simm.s32 @!p0 $0x108  }
0x21: {  	s3 =	sadd.s32 s3, s9;
	s6 =	sadd.s32 @!p0 $0x88, s6;
	s7 =	simm.s32 @p2 $0x1082  }
0x22: {  	[simem:s7], [sflag:s8] =	dma.local @!p0 [hbm:s6], $0xF7A  }
0x23: {  	s9 =	sor.u32 $0xD0000000, s2;
	s6 =	simm.s32 $0x108;
	_ =	swait.ge @!p0 [sflag:s8], $0x0  }
0x24: {  	s3 =	sadd.s32 $0x88, s3;
	s6 =	simm.s32 @!p1 $0x1082;
	[sflag:s4] =	ssyncset.s32 $0xFFFFF086  }
0x25: {  	[simem:s6], [sflag:s4] =	dma.local [hbm:s3], $0xF7A  }
0x26: {  	[smem:$0x3F95] =	sst s1;
	(tag) =	ssettag s2;
	_ =	strace s9  }
0x27: {  	s1 =	sld [smem:$0x3FA5]  }
0x28: {  	s2 =	sld [smem:$0x3FA6]  }
0x29: {  	s4 =	sld [smem:$0x3FA8]  }
0x2a: {  	p0 =	seq.s32 s5, $0x0;
	s5 =	sld [smem:$0x3FA9]  }
0x2b: {  	s6 =	sld [smem:$0x3FAA]  }
0x2c: {  	s7 =	sld [smem:$0x3FAB]  }
0x2d: {  	s3 =	simm.s32 $0x108;
	s8 =	sld [smem:$0x3FAC]  }
0x2e: {  	s3 =	simm.s32 @!p0 $0x1082;
	s9 =	sld [smem:$0x3FAD]  }
0x2f: {  	lr =	sadd.s32 s0, s3;
	s0 =	sld [smem:$0x3FA4]  }
0x30: {  	s3 =	sld [smem:$0x3FA7]  }
0x31: {  	[smem:$0x3FB0] =	sst s10  }
0x32: {  	s10 =	sld [smem:$0x3FAE];
	_ =	sdelay $0x3  }
0x33: {  	p0 =	seq.s32 s10, $0x1;
	s10 =	sld [smem:$0x3FB0];
	_ =	sdelay $0x3  }
0x34: {  	[smem:$0x3FB0] =	sst s10  }
0x35: {  	s10 =	sld [smem:$0x3FAF];
	_ =	sdelay $0x3  }
0x36: {  	p1 =	seq.s32 s10, $0x1;
	s10 =	sld [smem:$0x3FB0];
	_ =	sdelay $0x3  }
0x37: {  	[smem:$0x3FB0] =	sst s10  }
0x38: {  	s10 =	sld [smem:$0x3FB1]  }
0x39: {  	_ = 	snop;
	(pc) =	sbr.ind lr, $3  }
0x3a: {  	_ = 	snop  }
0x3b: {  	_ = 	snop  }
0x3c: {  	p2 =	seq.s32 s10, $0x1;
	s10 =	sld [smem:$0x3FB0]  }
0x3d: {  	_ =	shalt  }
0x3e: {  	_ =	shalt  }
0x3f: {  	_ =	shalt  }
0x40: {  	_ =	shalt  }
0x41: {  	_ =	shalt  }
0x42: {  	_ =	shalt  }
0x43: {  	_ =	shalt  }
0x44: {  	_ =	shalt  }
0x45: {  	_ =	shalt  }
0x46: {  	_ =	shalt  }
0x47: {  	_ =	shalt  }
0x48: {  	_ =	shalt  }
0x49: {  	_ =	shalt  }
0x4a: {  	_ =	shalt  }
0x4b: {  	_ =	shalt  }
0x4c: {  	_ =	shalt  }
0x4d: {  	_ =	shalt  }
0x4e: {  	_ =	shalt  }
0x4f: {  	_ =	shalt  }
0x50: {  	_ =	shalt  }
0x51: {  	_ =	shalt  }
0x52: {  	_ =	shalt  }
0x53: {  	_ =	shalt  }
0x54: {  	_ =	shalt  }
0x55: {  	_ =	shalt  }
0x56: {  	_ =	shalt  }
0x57: {  	_ =	shalt  }
0x58: {  	_ =	shalt  }
0x59: {  	_ =	shalt  }
0x5a: {  	_ =	shalt  }
0x5b: {  	_ =	shalt  }
0x5c: {  	_ =	shalt  }
0x5d: {  	_ =	shalt  }
0x5e: {  	_ =	shalt  }
0x5f: {  	_ =	shalt  }
0x60: {  	_ =	shalt  }
0x61: {  	_ =	shalt  }
0x62: {  	_ =	shalt  }
0x63: {  	_ =	shalt  }
0x64: {  	_ =	shalt  }
0x65: {  	_ =	shalt  }
0x66: {  	_ =	shalt  }
0x67: {  	_ =	shalt  }
0x68: {  	_ =	shalt  }
0x69: {  	_ =	shalt  }
0x6a: {  	_ =	shalt  }
0x6b: {  	_ =	shalt  }
0x6c: {  	_ =	shalt  }
0x6d: {  	_ =	shalt  }
0x6e: {  	_ =	shalt  }
0x6f: {  	_ =	shalt  }
0x70: {  	_ =	shalt  }
0x71: {  	_ =	shalt  }
0x72: {  	_ =	shalt  }
0x73: {  	_ =	shalt  }
0x74: {  	_ =	shalt  }
0x75: {  	_ =	shalt  }
0x76: {  	_ =	shalt  }
0x77: {  	_ =	shalt  }
0x78: {  	_ =	shalt  }
0x79: {  	_ =	shalt  }
0x7a: {  	_ =	shalt  }
0x7b: {  	_ =	shalt  }
0x7c: {  	_ =	shalt  }
0x7d: {  	_ =	shalt  }
0x7e: {  	_ =	shalt  }
0x7f: {  	_ =	shalt  }
0x80: {  	_ =	shalt  }
0x81: {  	_ =	shalt  }
0x82: {  	_ =	shalt  }
0x83: {  	_ =	shalt  }
0x84: {  	_ =	shalt  }
0x85: {  	_ =	shalt  }
0x86: {  	_ =	shalt  }
0x87: {  	_ =	shalt  }
.Lfunc_end0:
.L_simem_size_0:
called_computation_lowered:
.L_overlay_start_0:
0x88: {  	s2 =	sld [smem:$0x3FD9]  }
0x89: {  	s3 =	sld [smem:$0x3FFE];
	_ =	sdelay $0x1  }
0x8a: {  	s1 =	srdreg.scid  }
0x8b: {  	s0 =	sand.u32 $0x1, s1  }
0x8c: {  	s14 =	sshll.u32 s0, $0xA;
	s2 =	sadd.s32 s3, s2  }
0x8d: {  	s2 =	sadd.s32 s2, s14  }
0x8e: {  	[smem:$0x3FBC] =	sst s2  }
0x8f: {  	_ = 	snop  }
0x90: {  	s2 =	sld [smem:$0x3FD0];
	_ =	sdelay $0x2  }
0x91: {  	s4 =	simm.s32 $0xA;
	s5 =	simm.s32 $0x10;
	s15 =	sld [smem:$0x3FC9]  }
0x92: {  	[smem:s5], [sflag:s4] =	dma.local [hbm:s2], $0x1  }
0x93: {  	_ =	swait.eq [sflag:s4], $0x1  }
0x94: {  	[sflag:s4] =	ssyncset.done $0x0  }
0x95: {  	s16 =	sld [smem:$0x10];
	[sflag:s4] =	ssyncadd.s32 $0xFFFFFFFF  }
0x96: {  	s17 =	sld [smem:$0x16];
	(tm) =	ssettm $0x1  }
0x97: {  	s18 =	sld [smem:$0x3FFB];
	_ =	sdelay $0x3  }
0x98: {  	_ =	strace s18  }
0x99: {  	s5 =	sld [smem:$0x3FFC];
	_ =	sdelay $0x3  }
0x9a: {  	_ =	strace s5  }
0x9b: {  	s5 =	sld [smem:$0x3FFD];
	_ =	sdelay $0x3  }
0x9c: {  	_ =	strace s5  }
0x9d: {  	_ =	strace $0x8FFFFFFF  }
0x9e: {  	s19 =	sld [smem:$0x3FDB];
	_ =	sdelay $0x1  }
0x9f: {  	s6 =	simm.s32 $_scs_section_size  }
0xa0: {  	s7 =	simm.s32 $_size__tile_overlayer_lowered;
	s8 =	simm.s32 $_tile_overlayer_lowered  }
0xa1: {  	s22 =	simm.s32 $0x1BFF;
	s21 =	sshll.u32 s8, $0x1;
	s5 =	sadd.s32 s6, s19  }
0xa2: {  	s9 =	simm.s32 $0x0;
	s20 =	sshll.u32 s7, $0x1;
	s7 =	sadd.s32 s21, s5  }
0xa3: {  	[timem:s9], [sflag:s22] =	dma.local [hbm:s7], s20  }
0xa4: {  	_ =	swait.ge [sflag:s22], s20  }
0xa5: {  	s6 =	ssub.s32 $0x0, s20;
	[sflag:s22] =	ssyncset.done $0x0  }
0xa6: {  	[sflag:s22] =	ssyncadd.s32 s6;
	_ =	sdelay $0x1  }
0xa7: {  	s23 =	simm.s32 $0x1B8B  }
0xa8: {  	_ =	swait.ge [sflag:s23], $0x1  }
0xa9: {  	[sflag:s23] =	ssyncset.done $0x0  }
0xaa: {  	s25 =	simm.s32 $0x1B8E;
	s24 =	sld [smem:$0x3FFE];
	[sflag:s23] =	ssyncadd.s32 $0xFFFFFFFF  }
0xab: {  	s26 =	simm.s32 $execute0_lowered;
	[smem:$0x3FD2] =	sst s25  }
0xac: {  	s7 =	sshll.u32 s26, $0x1;
	_ =	strace $0x80000046;
	[dreg:$0x1] =	wrdreg $0xFFFFFFFF  }
0xad: {  	s28 =	simm.s32 $_size_execute0_lowered;
	s5 =	sadd.s32 s5, s7;
	[dreg:$0x0] =	wrdreg $0x0  }
0xae: {  	s7 =	sshll.u32 s28, $0x1;
	[dreg:$0x2] =	wrdreg s5  }
0xaf: {  	[dreg:$0x3] =	wrdreg s7  }
0xb0: {  	[dreg:$0x4] =	wrdreg $0xC0  }
0xb1: {  	_ =	task [dreg:s9], $0x5FFFF  }
0xb2: {  	[dreg:$0x1] =	wrdreg $0xFFFFFFFF  }
0xb3: {  	[dreg:$0x0] =	wrdreg $0x60  }
0xb4: {  	[dreg:$0x2] =	wrdreg s17  }
0xb5: {  	[dreg:$0x3] =	wrdreg s16  }
0xb6: {  	[dreg:$0x4] =	wrdreg s15  }
0xb7: {  	[dreg:$0x5] =	wrdreg s24  }
0xb8: {  	[dreg:$0x6] =	wrdreg $0x90000  }
0xb9: {  	[dreg:$0x7] =	wrdreg $0x9  }
0xba: {  	_ =	task.clear_ibuf [dreg:s9], $0x8FFFF;
	_ =	strace $0x90000046  }
0xbb: {  	s29 =	simm.s32 $0x9;
	_ =	strace $0x80000048  }
0xbc: {  	_ =	swait.ge [sflag:s29], $0x1  }
0xbd: {  	[sflag:s29] =	ssyncadd.s32 $0xFFFFFFFF  }
0xbe: {  	_ =	strace $0x90000048  }
0xbf: {  	_ =	sfence  }
0xc0: {  	s30 =	sld [smem:$0x0];
	_ =	sdelay $0x2  }
0xc1: {  	s31 =	sshll.u32 s1, $0xD;
	s1 =	sshrl.u32 s1, $0x2  }
0xc2: {  	s3 =	sand.u32 $0x4000, s31;
	s1 =	sadd.s32 s1, s30  }
0xc3: {  	s0 =	sor.u32 s3, s0;
	s1 =	sshll.u32 s1, $0x11  }
0xc4: {  	s0 =	sor.u32 s1, s0  }
0xc5: {  	s0 =	sadd.s32 $0x8F2B, s0  }
0xc6: {  	[sflag:s0] =	ssyncadd.remote.s32 $0x1  }
0xc7: {  	_ =	sfence.sel $0xFFFF  }
0xc8: {  	[dreg:$0x0] =	wrdreg $0xFFFFFFFF;
	(pc) =	sbr.abs _section_cstart, $3  }
0xc9: {  	[dreg:$0x1] =	wrdreg $0xFFFFFFFF  }
0xca: {  	_ =	task.clear_ibuf [dreg:s9], $0x2FFFF;
	_ =	strace $0x9FFFFFFF  }
0xcb: {  	(tm) =	ssettm $0x7FFFFFFF  }
tec
execute0_lowered:
.L_overlay_start_1:
0x0: {  	(tag) =	ssettag $0x1  }
0x1: {  	s6 =	rddreg [dreg:$0x0]  }
0x2: {  	s7 =	rddreg [dreg:$0x1]  }
0x3: {  	s1 =	rddreg [dreg:$0x2]  }
0x4: {  	s5 =	rddreg [dreg:$0x3]  }
0x5: {  	s2 =	rddreg [dreg:$0x4]  }
0x6: {  	s3 =	srdreg.scid;
	s0 =	rddreg [dreg:$0x5];
	s4 =	simm.s32 $0x0  }
0x7: {  	s15 =	simm.s32 $0x5000;
	s16 =	simm.s32 $0x1;
	s17 =	simm.s32 $0x2  }
0x8: {  	s18 =	simm.s32 $0x80;
	s8 =	sand.u32 $0x1, s3;
	s3 =	stileid.u32  }
0x9: {  	s19 =	simm.s32 $0x3;
	[smem:$0x7FF] =	sst s4;
	s9 =	smul.u32 $0x13C000, s8  }
0xa: {  	s22 =	simm.s32 $0x0;
	s10 =	smul.u32 $0x13C00, s3;
	_ =	strace $0x80000047  }
0xb: {  	s31 =	sshll.u32 s8, $0x4;
	s11 =	smul.u32 $0x4F000, s3;
	s8 =	ssub.s32 $0x2, s8  }
0xc: {  	s20 =	sshll.u32 s3, $0x6;
	s9 =	sadd.s32 s10, s9;
	s10 =	sor.u32 s3, s31  }
0xd: {  	s12 =	sshrl.u32 s8, $0x1;
	s20 =	sor.u32 $0x1C03, s20;
	s10 =	smul.u32 $0x500, s10  }
0xe: {  	s11 =	sshrl.u32 s11, $0x2;
	s14 =	ssub.s32 s8, s12;
	s9 =	sshrl.u32 s9, $0x3  }
0xf: {  	s13 =	sadd.s32 s9, s5;
	s5 =	sadd.s32 s11, s2;
	s6 =	sadd.s32 s6, s10  }
0x10: {  	s7 =	sadd.s32 s7, s10;
	s8 =	sadd.s32 $0x4000, s5;
	s9 =	sadd.s32 $0x8000, s5  }
0x11: {  	s10 =	sadd.s32 $0xC000, s5;
	s11 =	sadd.s32 $0x10000, s5;
	s12 =	sadd.s32 $0x4E00, s13  }
0x12: {  	v0 =	vimm.f32 $0.0e+00;
	s13 =	smax.u32 s14, $0x1;
	s14 =	simm.s32 $0x2800;
	s21 =	sshrl.u32 s5, $0x3  }
.LBB2_1:
0x13: {  	[tilespmem:s4], [sflag:$0x2] =	stream.linear.gather [hbm4b:s6+s4], $0x2800, $0x38;
	[tilespmem:$0x1CC00] =	vst v63  }
0x14: {  	s23 =	simm.s32 $0x0;
	s24 =	simm.s32 $0x200  }
0x15: {  	[tilespmem:s14], [sflag:$0x2] =	stream.linear.gather [hbm4b:s7+s4], $0x2800, $0x38;
	[tilespmem:$0x1CC00] =	vst v63  }
.LBB2_2:
0x16: {  	p0 =	sne.s32 s24, $0xFE00;
	[tilespmem:s23+$0x5070] =	vst v0  }
0x17: {  	[tilespmem:s23+$0x5000] =	vst v0  }
0x18: {  	[tilespmem:s23+$0x5010] =	vst v0  }
.Ltmp0:
0x19: {  	[tilespmem:s23+$0x5020] =	vst v0;
	(pc) =	sbr.rel @p0 .LBB2_2-.Ltmp0, $4  }
0x1a: {  	[tilespmem:s23+$0x5030] =	vst v0  }
0x1b: {  	[tilespmem:s23+$0x5040] =	vst v0  }
0x1c: {  	[tilespmem:s23+$0x5050] =	vst v0  }
0x1d: {  	[tilespmem:s23+$0x5060] =	vst v0;
	s23 =	sshra.s32 s24, $0x2;
	s24 =	sadd.s32 $0x200, s24  }
0x1e: {  	[tilespmem:s23+$0x5070] =	vst v0  }
0x1f: {  	[tilespmem:s23+$0x5000] =	vst v0  }
0x20: {  	[tilespmem:s23+$0x5010] =	vst v0  }
0x21: {  	[tilespmem:s23+$0x5020] =	vst v0  }
0x22: {  	[tilespmem:s23+$0x5030] =	vst v0  }
0x23: {  	[tilespmem:s23+$0x5040] =	vst v0  }
0x24: {  	[tilespmem:s23+$0x5050] =	vst v0  }
0x25: {  	[tilespmem:s23+$0x5060] =	vst v0  }
0x26: {  	[spmem:s5] =	stream.linear.scatter [tilespmem:s15], [sflag:$0x1], $0x4000, $0x38;
	[tilespmem:$0x1CC00] =	vst v63  }
0x27: {  	_ = 	snop  }
0x28: {  	[spmem:s8] =	stream.linear.scatter [tilespmem:s15], [sflag:$0x1], $0x4000, $0x38;
	[tilespmem:$0x1CC00] =	vst v63  }
0x29: {  	_ = 	snop  }
0x2a: {  	[spmem:s9] =	stream.linear.scatter [tilespmem:s15], [sflag:$0x1], $0x4000, $0x38;
	[tilespmem:$0x1CC00] =	vst v63  }
0x2b: {  	_ = 	snop  }
0x2c: {  	[spmem:s10] =	stream.linear.scatter [tilespmem:s15], [sflag:$0x1], $0x4000, $0x38;
	[tilespmem:$0x1CC00] =	vst v63  }
0x2d: {  	_ = 	snop  }
0x2e: {  	[spmem:s11] =	stream.linear.scatter [tilespmem:s15], [sflag:$0x1], $0x3C00, $0x38;
	[tilespmem:$0x1CC00] =	vst v63  }
0x2f: {  	_ =	swait.ge [sflag:s16], $0x4000  }
0x30: {  	[sflag:s16] =	ssyncset.done $0x0  }
0x31: {  	[sflag:s16] =	ssyncadd.s32 $0xFFFFC000  }
0x32: {  	_ =	swait.ge [sflag:s16], $0x4000  }
0x33: {  	[sflag:s16] =	ssyncset.done $0x0  }
0x34: {  	[sflag:s16] =	ssyncadd.s32 $0xFFFFC000  }
0x35: {  	_ =	swait.ge [sflag:s16], $0x4000  }
0x36: {  	[sflag:s16] =	ssyncset.done $0x0  }
0x37: {  	[sflag:s16] =	ssyncadd.s32 $0xFFFFC000  }
0x38: {  	_ =	swait.ge [sflag:s16], $0x4000  }
0x39: {  	[sflag:s16] =	ssyncset.done $0x0  }
0x3a: {  	[sflag:s16] =	ssyncadd.s32 $0xFFFFC000  }
0x3b: {  	_ =	swait.ge [sflag:s16], $0x3C00  }
0x3c: {  	[sflag:s16] =	ssyncset.done $0x0  }
0x3d: {  	[sflag:s16] =	ssyncadd.s32 $0xFFFFC400  }
0x3e: {  	_ =	swait.ge [sflag:s17], $0x2800  }
0x3f: {  	[sflag:s17] =	ssyncset.done $0x0  }
0x40: {  	[sflag:s17] =	ssyncadd.s32 $0xFFFFD800  }
0x41: {  	_ =	swait.ge [sflag:s17], $0x2800  }
0x42: {  	[sflag:s17] =	ssyncset.done $0x0  }
0x43: {  	[sflag:s17] =	ssyncadd.s32 $0xFFFFD800  }
0x44: {  	s30 =	simm.s32 $0x0;
	[bflag:$0x0] =	sbarrier.arrive $0xFFFF  }
0x45: {  	[tilespmem:s15], [sflag:$0x1] =	stream.indirect.gather [hbm4b:s1+s18], $0x80, s30, s18, $0xb8;
	[tilespmem:$0x1CC00] =	vst v63  }
0x46: {  	_ =	swait.ge [sflag:s16], $0x4000  }
0x47: {  	[sflag:s16] =	ssyncset.done $0x0  }
0x48: {  	s31 =	simm.s32 $0x2800;
	[sflag:s16] =	ssyncadd.s32 $0xFFFFC000  }
0x49: {  	[spmem:s2] =	stream.indirect.scatter.add.f32 [tilespmem:s15], [sflag:$0x3], $0x80, s31, s18, $0xb8;
	[tilespmem:$0x1CC00] =	vst v63  }
0x4a: {  	_ =	swait.ge [sflag:s19], $0x4000  }
0x4b: {  	s23 =	simm.s32 $0x200;
	s24 =	simm.s32 $0x400;
	[sflag:s19] =	ssyncset.done $0x0  }
.LBB2_4:
0x4c: {  	s25 =	sshra.s32 s23, $0x2  }
0x4d: {  	[sflag:s19] =	ssyncadd.s32 $0xFFFFC000;
	s23 =	smov.u32 s24;
	s26 =	sadd.s32 $0x200, s24  }
0x4e: {  	[tilespmem:s15], [sflag:$0x1] =	stream.indirect.gather [hbm4b:s1+s18], $0x80, s25, s18, $0xb8;
	[tilespmem:$0x1CC00] =	vst v63  }
0x4f: {  	p0 =	sne.s32 s24, $0x9E00;
	_ =	swait.ge [sflag:s16], $0x4000  }
.Ltmp1:
0x50: {  	[sflag:s16] =	ssyncset.done $0x0;
	(pc) =	sbr.rel @p0 .LBB2_4-.Ltmp1, $4  }
0x51: {  	s24 =	sadd.s32 $0x2800, s25;
	[sflag:s16] =	ssyncadd.s32 $0xFFFFC000  }
0x52: {  	[spmem:s2] =	stream.indirect.scatter.add.f32 [tilespmem:s15], [sflag:$0x3], $0x80, s24, s18, $0xb8;
	[tilespmem:$0x1CC00] =	vst v63  }
0x53: {  	_ =	swait.ge [sflag:s19], $0x4000  }
0x54: {  	s24 =	smov.u32 s26;
	[sflag:s19] =	ssyncset.done $0x0  }
0x55: {  	s23 =	sshra.s32 s23, $0x2;
	[sflag:s19] =	ssyncadd.s32 $0xFFFFC000  }
0x56: {  	[tilespmem:s15], [sflag:$0x1] =	stream.indirect.gather [hbm4b:s1+s18], $0x80, s23, s18, $0xb8;
	[tilespmem:$0x1CC00] =	vst v63  }
0x57: {  	_ =	swait.ge [sflag:s16], $0x4000  }
0x58: {  	[sflag:s16] =	ssyncset.done $0x0  }
0x59: {  	s23 =	sadd.s32 $0x2800, s23;
	[sflag:s16] =	ssyncadd.s32 $0xFFFFC000  }
0x5a: {  	[spmem:s2] =	stream.indirect.scatter.add.f32 [tilespmem:s15], [sflag:$0x3], $0x80, s23, s18, $0xb8;
	[tilespmem:$0x1CC00] =	vst v63  }
0x5b: {  	_ =	swait.ge [sflag:s19], $0x4000  }
0x5c: {  	s22 =	sadd.s32 $0x1, s22;
	[sflag:s19] =	ssyncset.done $0x0  }
0x5d: {  	p0 =	sne.s32 s22, s13;
	[sflag:s19] =	ssyncadd.s32 $0xFFFFC000  }
.Ltmp2:
0x5e: {  	[bflag:$0x0] =	sbarrier.arrive $0xFFFF;
	(pc) =	sbr.rel @p0 .LBB2_1-.Ltmp2, $4  }
0x5f: {  	[hbm:s12], [sflag:s20] =	dma.local [spmem:s21], $0x2780  }
0x60: {  	_ =	swait.ge [sflag:s19], $0x2780  }
0x61: {  	[sflag:s19] =	ssyncset.done $0x0  }
0x62: {  	[sflag:s19] =	ssyncadd.s32 $0xFFFFD880  }
0x63: {  	_ =	sfence.sel $0x180000  }
0x64: {  	[bflag:$0x0] =	sbarrier.arrive $0xFFFF  }
0x65: {  	p0 =	sne.s32 s3, $0x0;
	_ =	strace $0x90000047  }
0x66: {  	s0 =	sadd.s32 @!p0 $0x100000, s0;
	[bflag:$0x2] =	sbarrier.arrive $0xFFFF  }
0x67: {  	[sflag:s0] =	ssyncadd.tile.s32 @!p0 $0x1;
	_ =	shalt  }
.Lfunc_end2:
_tile_overlayer_lowered:
.L_overlay_start_2:
0x68: {  	(tag) =	ssettag $0x2  }
0x69: {  	s0 =	rddreg [dreg:$0x0];
	s2 =	stileid.u32  }
0x6a: {  	s1 =	rddreg [dreg:$0x1];
	p0 =	sne.s32 s2, $0x0  }
0x6b: {  	s3 =	rddreg [dreg:$0x2];
	[bflag:$0x3] =	sbarrier.arrive $0xFFFF;
	s2 =	simm.s32 @!p0 $0x1C03  }
0x6c: {  	[timem:s3], [sflag:s2] =	dma.local @!p0 [hbm:s0], s1  }
0x6d: {  	s0 =	simm.s32 @!p0 $0x3  }
0x6e: {  	_ =	swait.ge @!p0 [sflag:s0], s1  }
0x6f: {  	s1 =	ssub.s32 @!p0 $0x0, s1;
	[sflag:s0] =	ssyncset.done @!p0 $0x0  }
0x70: {  	[sflag:s0] =	ssyncadd.s32 @!p0 s1  }
0x71: {  	[bflag:$0x3] =	sbarrier.arrive $0xFFFF  }
0x72: {  	_ =	shalt  }

// kernel: kernel.13.cloned.1.call-start
scs
__scs_entry_jumppad:
0x0: {  	(pc) =	sbr.rel $0x88, $3  }
0x1: {  	(tag) =	ssettag $0x0;
	lr =	simm.s32 $0x1  }
0x2: {  	[smem:$0x3F95] =	sst lr;
	_ =	strace $0xD0000000  }
0x3: {  	_ = 	snop  }
0x4: {  	_ = 	snop  }
0x5: {  	_ = 	snop  }
0x6: {  	_ = 	snop  }
0x7: {  	_ = 	snop  }
__scs_overlays_trampoline_lowered:
0x8: {  	[smem:$0x3FA4] =	sst s0  }
0x9: {  	[smem:$0x3FA5] =	sst s1  }
0xa: {  	[smem:$0x3FA6] =	sst s2  }
0xb: {  	[smem:$0x3FA7] =	sst s3  }
0xc: {  	[smem:$0x3FA8] =	sst s4  }
0xd: {  	[smem:$0x3FA9] =	sst s5  }
0xe: {  	[smem:$0x3FAA] =	sst s6  }
0xf: {  	[smem:$0x3FAB] =	sst s7  }
0x10: {  	[smem:$0x3FAC] =	sst s8  }
0x11: {  	[smem:$0x3FAD] =	sst s9;
	s0 =	simm.s32 @!p0 $0x0  }
0x12: {  	s1 =	sld [smem:$0x3F93];
	s0 =	simm.s32 @p0 $0x1  }
0x13: {  	[smem:$0x3FAE] =	sst s0;
	s0 =	simm.s32 @!p1 $0x0  }
0x14: {  	s2 =	sld [smem:$0x3F92];
	s0 =	simm.s32 @p1 $0x1  }
0x15: {  	[smem:$0x3FAF] =	sst s0;
	s0 =	simm.s32 @!p2 $0x0  }
0x16: {  	s3 =	sld [smem:$0x3FDB];
	s0 =	simm.s32 @p2 $0x1  }
0x17: {  	s4 =	simm.s32 $0x1BF5;
	[smem:$0x3FB1] =	sst s0  }
0x18: {  	s0 =	sld [smem:$0x3F94];
	_ =	swait.ge [sflag:s4], $0x0  }
0x19: {  	s7 =	sld [smem:$0x3F95]  }
0x1a: {  	s8 =	sadd.s32 $0xFFFFE003, lr  }
0x1b: {  	s9 =	sadd.s32 $0xFFFFFEF7, lr;
	s5 =	simm.s32 $0xFFFFFFFF;
	p2 =	slt.u32 s8, $0xFFFFF086  }
0x1c: {  	p1 =	slt.u32 s9, $0xF7A;
	s5 =	simm.s32 @!p2 $0x0  }
0x1d: {  	s5 =	simm.s32 @p1 $0x1;
	p0 =	seq.s32 s7, s2  }
0x1e: {  	s7 =	smul.u32 @!p0 $0xF7A, s2;
	p2 =	seq.s32 @!p0 s5, $0x0  }
0x1f: {  	s9 =	smul.u32 $0xF7A, s1;
	s8 =	simm.s32 @!p0 $0x1BF5;
	p2 =	por !p2, p0  }
0x20: {  	[sflag:s8] =	ssyncset.s32 @!p0 $0xFFFFF086;
	s6 =	sadd.s32 @!p0 s3, s7;
	s7 =	simm.s32 @!p0 $0x108  }
0x21: {  	s3 =	sadd.s32 s3, s9;
	s6 =	sadd.s32 @!p0 $0x88, s6;
	s7 =	simm.s32 @p2 $0x1082  }
0x22: {  	[simem:s7], [sflag:s8] =	dma.local @!p0 [hbm:s6], $0xF7A  }
0x23: {  	s9 =	sor.u32 $0xD0000000, s2;
	s6 =	simm.s32 $0x108;
	_ =	swait.ge @!p0 [sflag:s8], $0x0  }
0x24: {  	s3 =	sadd.s32 $0x88, s3;
	s6 =	simm.s32 @!p1 $0x1082;
	[sflag:s4] =	ssyncset.s32 $0xFFFFF086  }
0x25: {  	[simem:s6], [sflag:s4] =	dma.local [hbm:s3], $0xF7A  }
0x26: {  	[smem:$0x3F95] =	sst s1;
	(tag) =	ssettag s2;
	_ =	strace s9  }
0x27: {  	s1 =	sld [smem:$0x3FA5]  }
0x28: {  	s2 =	sld [smem:$0x3FA6]  }
0x29: {  	s4 =	sld [smem:$0x3FA8]  }
0x2a: {  	p0 =	seq.s32 s5, $0x0;
	s5 =	sld [smem:$0x3FA9]  }
0x2b: {  	s6 =	sld [smem:$0x3FAA]  }
0x2c: {  	s7 =	sld [smem:$0x3FAB]  }
0x2d: {  	s3 =	simm.s32 $0x108;
	s8 =	sld [smem:$0x3FAC]  }
0x2e: {  	s3 =	simm.s32 @!p0 $0x1082;
	s9 =	sld [smem:$0x3FAD]  }
0x2f: {  	lr =	sadd.s32 s0, s3;
	s0 =	sld [smem:$0x3FA4]  }
0x30: {  	s3 =	sld [smem:$0x3FA7]  }
0x31: {  	[smem:$0x3FB0] =	sst s10  }
0x32: {  	s10 =	sld [smem:$0x3FAE];
	_ =	sdelay $0x3  }
0x33: {  	p0 =	seq.s32 s10, $0x1;
	s10 =	sld [smem:$0x3FB0];
	_ =	sdelay $0x3  }
0x34: {  	[smem:$0x3FB0] =	sst s10  }
0x35: {  	s10 =	sld [smem:$0x3FAF];
	_ =	sdelay $0x3  }
0x36: {  	p1 =	seq.s32 s10, $0x1;
	s10 =	sld [smem:$0x3FB0];
	_ =	sdelay $0x3  }
0x37: {  	[smem:$0x3FB0] =	sst s10  }
0x38: {  	s10 =	sld [smem:$0x3FB1]  }
0x39: {  	_ = 	snop;
	(pc) =	sbr.ind lr, $3  }
0x3a: {  	_ = 	snop  }
0x3b: {  	_ = 	snop  }
0x3c: {  	p2 =	seq.s32 s10, $0x1;
	s10 =	sld [smem:$0x3FB0]  }
0x3d: {  	_ =	shalt  }
0x3e: {  	_ =	shalt  }
0x3f: {  	_ =	shalt  }
0x40: {  	_ =	shalt  }
0x41: {  	_ =	shalt  }
0x42: {  	_ =	shalt  }
0x43: {  	_ =	shalt  }
0x44: {  	_ =	shalt  }
0x45: {  	_ =	shalt  }
0x46: {  	_ =	shalt  }
0x47: {  	_ =	shalt  }
0x48: {  	_ =	shalt  }
0x49: {  	_ =	shalt  }
0x4a: {  	_ =	shalt  }
0x4b: {  	_ =	shalt  }
0x4c: {  	_ =	shalt  }
0x4d: {  	_ =	shalt  }
0x4e: {  	_ =	shalt  }
0x4f: {  	_ =	shalt  }
0x50: {  	_ =	shalt  }
0x51: {  	_ =	shalt  }
0x52: {  	_ =	shalt  }
0x53: {  	_ =	shalt  }
0x54: {  	_ =	shalt  }
0x55: {  	_ =	shalt  }
0x56: {  	_ =	shalt  }
0x57: {  	_ =	shalt  }
0x58: {  	_ =	shalt  }
0x59: {  	_ =	shalt  }
0x5a: {  	_ =	shalt  }
0x5b: {  	_ =	shalt  }
0x5c: {  	_ =	shalt  }
0x5d: {  	_ =	shalt  }
0x5e: {  	_ =	shalt  }
0x5f: {  	_ =	shalt  }
0x60: {  	_ =	shalt  }
0x61: {  	_ =	shalt  }
0x62: {  	_ =	shalt  }
0x63: {  	_ =	shalt  }
0x64: {  	_ =	shalt  }
0x65: {  	_ =	shalt  }
0x66: {  	_ =	shalt  }
0x67: {  	_ =	shalt  }
0x68: {  	_ =	shalt  }
0x69: {  	_ =	shalt  }
0x6a: {  	_ =	shalt  }
0x6b: {  	_ =	shalt  }
0x6c: {  	_ =	shalt  }
0x6d: {  	_ =	shalt  }
0x6e: {  	_ =	shalt  }
0x6f: {  	_ =	shalt  }
0x70: {  	_ =	shalt  }
0x71: {  	_ =	shalt  }
0x72: {  	_ =	shalt  }
0x73: {  	_ =	shalt  }
0x74: {  	_ =	shalt  }
0x75: {  	_ =	shalt  }
0x76: {  	_ =	shalt  }
0x77: {  	_ =	shalt  }
0x78: {  	_ =	shalt  }
0x79: {  	_ =	shalt  }
0x7a: {  	_ =	shalt  }
0x7b: {  	_ =	shalt  }
0x7c: {  	_ =	shalt  }
0x7d: {  	_ =	shalt  }
0x7e: {  	_ =	shalt  }
0x7f: {  	_ =	shalt  }
0x80: {  	_ =	shalt  }
0x81: {  	_ =	shalt  }
0x82: {  	_ =	shalt  }
0x83: {  	_ =	shalt  }
0x84: {  	_ =	shalt  }
0x85: {  	_ =	shalt  }
0x86: {  	_ =	shalt  }
0x87: {  	_ =	shalt  }
.Lfunc_end0:
.L_simem_size_0:
called_computation.1_lowered:
.L_overlay_start_0:
0x88: {  	s2 =	sld [smem:$0x3FD9]  }
0x89: {  	s3 =	sld [smem:$0x3FFE];
	_ =	sdelay $0x1  }
0x8a: {  	s1 =	srdreg.scid  }
0x8b: {  	s0 =	sand.u32 $0x1, s1  }
0x8c: {  	s14 =	sshll.u32 s0, $0xA;
	s2 =	sadd.s32 s3, s2  }
0x8d: {  	s2 =	sadd.s32 s2, s14  }
0x8e: {  	[smem:$0x3FBC] =	sst s2  }
0x8f: {  	_ = 	snop  }
0x90: {  	s2 =	sld [smem:$0x3FD0];
	_ =	sdelay $0x2  }
0x91: {  	s15 =	simm.s32 $0xA;
	s4 =	simm.s32 $0x10  }
0x92: {  	[smem:s4], [sflag:s15] =	dma.local [hbm:s2], $0x1  }
0x93: {  	_ =	swait.eq [sflag:s15], $0x1  }
0x94: {  	s16 =	sld [smem:$0x10];
	[sflag:s15] =	ssyncset.done $0x0  }
0x95: {  	s17 =	sld [smem:$0x13];
	[sflag:s15] =	ssyncadd.s32 $0xFFFFFFFF  }
0x96: {  	s18 =	sld [smem:$0x16];
	(tm) =	ssettm $0x1  }
0x97: {  	s5 =	sld [smem:$0x3FFB];
	_ =	sdelay $0x3  }
0x98: {  	_ =	strace s5  }
0x99: {  	s5 =	sld [smem:$0x3FFC];
	_ =	sdelay $0x3  }
0x9a: {  	_ =	strace s5  }
0x9b: {  	s5 =	sld [smem:$0x3FFD];
	_ =	sdelay $0x3  }
0x9c: {  	_ =	strace s5  }
0x9d: {  	_ =	strace $0x8FFFFFFF  }
0x9e: {  	s19 =	sld [smem:$0x3FDB];
	_ =	sdelay $0x1  }
0x9f: {  	s6 =	simm.s32 $_scs_section_size  }
0xa0: {  	s7 =	simm.s32 $_size__tile_overlayer_lowered;
	s8 =	simm.s32 $_tile_overlayer_lowered  }
0xa1: {  	s22 =	simm.s32 $0x1BFF;
	s21 =	sshll.u32 s8, $0x1;
	s5 =	sadd.s32 s6, s19  }
0xa2: {  	s9 =	simm.s32 $0x0;
	s20 =	sshll.u32 s7, $0x1;
	s7 =	sadd.s32 s21, s5  }
0xa3: {  	[timem:s9], [sflag:s22] =	dma.local [hbm:s7], s20  }
0xa4: {  	_ =	swait.ge [sflag:s22], s20  }
0xa5: {  	s6 =	ssub.s32 $0x0, s20;
	[sflag:s22] =	ssyncset.done $0x0  }
0xa6: {  	[sflag:s22] =	ssyncadd.s32 s6;
	_ =	sdelay $0x1  }
0xa7: {  	s23 =	simm.s32 $0x1B8B  }
0xa8: {  	_ =	swait.ge [sflag:s23], $0x1  }
0xa9: {  	[sflag:s23] =	ssyncset.done $0x0  }
0xaa: {  	s25 =	simm.s32 $0x1B8E;
	s24 =	sld [smem:$0x3FFE];
	[sflag:s23] =	ssyncadd.s32 $0xFFFFFFFF  }
0xab: {  	s26 =	simm.s32 $execute0_lowered;
	[smem:$0x3FD2] =	sst s25  }
0xac: {  	s7 =	sshll.u32 s26, $0x1;
	_ =	strace $0x80000049;
	[dreg:$0x1] =	wrdreg $0xFFFFFFFF  }
0xad: {  	s28 =	simm.s32 $_size_execute0_lowered;
	s5 =	sadd.s32 s5, s7;
	[dreg:$0x0] =	wrdreg $0x0  }
0xae: {  	s7 =	sshll.u32 s28, $0x1;
	[dreg:$0x2] =	wrdreg s5  }
0xaf: {  	[dreg:$0x3] =	wrdreg s7  }
0xb0: {  	[dreg:$0x4] =	wrdreg $0xC0  }
0xb1: {  	_ =	task [dreg:s9], $0x5FFFF  }
0xb2: {  	[dreg:$0x1] =	wrdreg $0xFFFFFFFF  }
0xb3: {  	[dreg:$0x0] =	wrdreg $0x60  }
0xb4: {  	[dreg:$0x2] =	wrdreg s18  }
0xb5: {  	[dreg:$0x3] =	wrdreg s16  }
0xb6: {  	[dreg:$0x4] =	wrdreg s17  }
0xb7: {  	[dreg:$0x5] =	wrdreg s24  }
0xb8: {  	[dreg:$0x6] =	wrdreg $0x90000  }
0xb9: {  	[dreg:$0x7] =	wrdreg $0x9  }
0xba: {  	_ =	task.clear_ibuf [dreg:s9], $0x8FFFF;
	_ =	strace $0x90000049  }
0xbb: {  	s29 =	simm.s32 $0x9;
	_ =	strace $0x8000004B  }
0xbc: {  	_ =	swait.ge [sflag:s29], $0x1  }
0xbd: {  	[sflag:s29] =	ssyncadd.s32 $0xFFFFFFFF  }
0xbe: {  	_ =	strace $0x9000004B  }
0xbf: {  	_ =	sfence  }
0xc0: {  	s30 =	sld [smem:$0x0];
	_ =	sdelay $0x2  }
0xc1: {  	s31 =	sshll.u32 s1, $0xD;
	s1 =	sshrl.u32 s1, $0x2  }
0xc2: {  	s3 =	sand.u32 $0x4000, s31;
	s1 =	sadd.s32 s1, s30  }
0xc3: {  	s0 =	sor.u32 s3, s0;
	s1 =	sshll.u32 s1, $0x11  }
0xc4: {  	s0 =	sor.u32 s1, s0  }
0xc5: {  	s0 =	sadd.s32 $0x8F2B, s0  }
0xc6: {  	[sflag:s0] =	ssyncadd.remote.s32 $0x1  }
0xc7: {  	_ =	sfence.sel $0xFFFF  }
0xc8: {  	[dreg:$0x0] =	wrdreg $0xFFFFFFFF;
	(pc) =	sbr.abs _section_cstart, $3  }
0xc9: {  	[dreg:$0x1] =	wrdreg $0xFFFFFFFF  }
0xca: {  	_ =	task.clear_ibuf [dreg:s9], $0x2FFFF;
	_ =	strace $0x9FFFFFFF  }
0xcb: {  	(tm) =	ssettm $0x7FFFFFFF  }
tec
execute0_lowered:
.L_overlay_start_1:
0x0: {  	(tag) =	ssettag $0x1  }
0x1: {  	s6 =	rddreg [dreg:$0x0]  }
0x2: {  	s7 =	rddreg [dreg:$0x1]  }
0x3: {  	s1 =	rddreg [dreg:$0x2]  }
0x4: {  	s5 =	rddreg [dreg:$0x3]  }
0x5: {  	s2 =	rddreg [dreg:$0x4]  }
0x6: {  	s3 =	srdreg.scid;
	s0 =	rddreg [dreg:$0x5];
	s4 =	simm.s32 $0x0  }
0x7: {  	s15 =	simm.s32 $0x5000;
	s16 =	simm.s32 $0x1;
	s17 =	simm.s32 $0x2  }
0x8: {  	s18 =	simm.s32 $0x80;
	s8 =	sand.u32 $0x1, s3;
	s3 =	stileid.u32  }
0x9: {  	s19 =	simm.s32 $0x3;
	[smem:$0x7FF] =	sst s4;
	s9 =	smul.u32 $0x13C000, s8  }
0xa: {  	s22 =	simm.s32 $0x0;
	s10 =	smul.u32 $0x13C00, s3;
	_ =	strace $0x8000004A  }
0xb: {  	s31 =	sshll.u32 s8, $0x4;
	s11 =	smul.u32 $0x4F000, s3;
	s8 =	ssub.s32 $0x2, s8  }
0xc: {  	s20 =	sshll.u32 s3, $0x6;
	s9 =	sadd.s32 s10, s9;
	s10 =	sor.u32 s3, s31  }
0xd: {  	s12 =	sshrl.u32 s8, $0x1;
	s20 =	sor.u32 $0x1C03, s20;
	s10 =	smul.u32 $0x500, s10  }
0xe: {  	s11 =	sshrl.u32 s11, $0x2;
	s14 =	ssub.s32 s8, s12;
	s9 =	sshrl.u32 s9, $0x3  }
0xf: {  	s13 =	sadd.s32 s9, s5;
	s5 =	sadd.s32 s11, s2;
	s6 =	sadd.s32 s6, s10  }
0x10: {  	s7 =	sadd.s32 s7, s10;
	s8 =	sadd.s32 $0x4000, s5;
	s9 =	sadd.s32 $0x8000, s5  }
0x11: {  	s10 =	sadd.s32 $0xC000, s5;
	s11 =	sadd.s32 $0x10000, s5;
	s12 =	sadd.s32 $0x4E00, s13  }
0x12: {  	v0 =	vimm.f32 $0.0e+00;
	s13 =	smax.u32 s14, $0x1;
	s14 =	simm.s32 $0x2800;
	s21 =	sshrl.u32 s5, $0x3  }
.LBB2_1:
0x13: {  	[tilespmem:s4], [sflag:$0x2] =	stream.linear.gather [hbm4b:s6+s4], $0x2800, $0x38;
	[tilespmem:$0x1CC00] =	vst v63  }
0x14: {  	s23 =	simm.s32 $0x0;
	s24 =	simm.s32 $0x200  }
0x15: {  	[tilespmem:s14], [sflag:$0x2] =	stream.linear.gather [hbm4b:s7+s4], $0x2800, $0x38;
	[tilespmem:$0x1CC00] =	vst v63  }
.LBB2_2:
0x16: {  	p0 =	sne.s32 s24, $0xFE00;
	[tilespmem:s23+$0x5070] =	vst v0  }
0x17: {  	[tilespmem:s23+$0x5000] =	vst v0  }
0x18: {  	[tilespmem:s23+$0x5010] =	vst v0  }
.Ltmp0:
0x19: {  	[tilespmem:s23+$0x5020] =	vst v0;
	(pc) =	sbr.rel @p0 .LBB2_2-.Ltmp0, $4  }
0x1a: {  	[tilespmem:s23+$0x5030] =	vst v0  }
0x1b: {  	[tilespmem:s23+$0x5040] =	vst v0  }
0x1c: {  	[tilespmem:s23+$0x5050] =	vst v0  }
0x1d: {  	[tilespmem:s23+$0x5060] =	vst v0;
	s23 =	sshra.s32 s24, $0x2;
	s24 =	sadd.s32 $0x200, s24  }
0x1e: {  	[tilespmem:s23+$0x5070] =	vst v0  }
0x1f: {  	[tilespmem:s23+$0x5000] =	vst v0  }
0x20: {  	[tilespmem:s23+$0x5010] =	vst v0  }
0x21: {  	[tilespmem:s23+$0x5020] =	vst v0  }
0x22: {  	[tilespmem:s23+$0x5030] =	vst v0  }
0x23: {  	[tilespmem:s23+$0x5040] =	vst v0  }
0x24: {  	[tilespmem:s23+$0x5050] =	vst v0  }
0x25: {  	[tilespmem:s23+$0x5060] =	vst v0  }
0x26: {  	[spmem:s5] =	stream.linear.scatter [tilespmem:s15], [sflag:$0x1], $0x4000, $0x38;
	[tilespmem:$0x1CC00] =	vst v63  }
0x27: {  	_ = 	snop  }
0x28: {  	[spmem:s8] =	stream.linear.scatter [tilespmem:s15], [sflag:$0x1], $0x4000, $0x38;
	[tilespmem:$0x1CC00] =	vst v63  }
0x29: {  	_ = 	snop  }
0x2a: {  	[spmem:s9] =	stream.linear.scatter [tilespmem:s15], [sflag:$0x1], $0x4000, $0x38;
	[tilespmem:$0x1CC00] =	vst v63  }
0x2b: {  	_ = 	snop  }
0x2c: {  	[spmem:s10] =	stream.linear.scatter [tilespmem:s15], [sflag:$0x1], $0x4000, $0x38;
	[tilespmem:$0x1CC00] =	vst v63  }
0x2d: {  	_ = 	snop  }
0x2e: {  	[spmem:s11] =	stream.linear.scatter [tilespmem:s15], [sflag:$0x1], $0x3C00, $0x38;
	[tilespmem:$0x1CC00] =	vst v63  }
0x2f: {  	_ =	swait.ge [sflag:s16], $0x4000  }
0x30: {  	[sflag:s16] =	ssyncset.done $0x0  }
0x31: {  	[sflag:s16] =	ssyncadd.s32 $0xFFFFC000  }
0x32: {  	_ =	swait.ge [sflag:s16], $0x4000  }
0x33: {  	[sflag:s16] =	ssyncset.done $0x0  }
0x34: {  	[sflag:s16] =	ssyncadd.s32 $0xFFFFC000  }
0x35: {  	_ =	swait.ge [sflag:s16], $0x4000  }
0x36: {  	[sflag:s16] =	ssyncset.done $0x0  }
0x37: {  	[sflag:s16] =	ssyncadd.s32 $0xFFFFC000  }
0x38: {  	_ =	swait.ge [sflag:s16], $0x4000  }
0x39: {  	[sflag:s16] =	ssyncset.done $0x0  }
0x3a: {  	[sflag:s16] =	ssyncadd.s32 $0xFFFFC000  }
0x3b: {  	_ =	swait.ge [sflag:s16], $0x3C00  }
0x3c: {  	[sflag:s16] =	ssyncset.done $0x0  }
0x3d: {  	[sflag:s16] =	ssyncadd.s32 $0xFFFFC400  }
0x3e: {  	_ =	swait.ge [sflag:s17], $0x2800  }
0x3f: {  	[sflag:s17] =	ssyncset.done $0x0  }
0x40: {  	[sflag:s17] =	ssyncadd.s32 $0xFFFFD800  }
0x41: {  	_ =	swait.ge [sflag:s17], $0x2800  }
0x42: {  	[sflag:s17] =	ssyncset.done $0x0  }
0x43: {  	[sflag:s17] =	ssyncadd.s32 $0xFFFFD800  }
0x44: {  	s30 =	simm.s32 $0x0;
	[bflag:$0x0] =	sbarrier.arrive $0xFFFF  }
0x45: {  	[tilespmem:s15], [sflag:$0x1] =	stream.indirect.gather [hbm4b:s1+s18], $0x80, s30, s18, $0xb8;
	[tilespmem:$0x1CC00] =	vst v63  }
0x46: {  	_ =	swait.ge [sflag:s16], $0x4000  }
0x47: {  	[sflag:s16] =	ssyncset.done $0x0  }
0x48: {  	s31 =	simm.s32 $0x2800;
	[sflag:s16] =	ssyncadd.s32 $0xFFFFC000  }
0x49: {  	[spmem:s2] =	stream.indirect.scatter.add.f32 [tilespmem:s15], [sflag:$0x3], $0x80, s31, s18, $0xb8;
	[tilespmem:$0x1CC00] =	vst v63  }
0x4a: {  	_ =	swait.ge [sflag:s19], $0x4000  }
0x4b: {  	s23 =	simm.s32 $0x200;
	s24 =	simm.s32 $0x400;
	[sflag:s19] =	ssyncset.done $0x0  }
.LBB2_4:
0x4c: {  	s25 =	sshra.s32 s23, $0x2  }
0x4d: {  	[sflag:s19] =	ssyncadd.s32 $0xFFFFC000;
	s23 =	smov.u32 s24;
	s26 =	sadd.s32 $0x200, s24  }
0x4e: {  	[tilespmem:s15], [sflag:$0x1] =	stream.indirect.gather [hbm4b:s1+s18], $0x80, s25, s18, $0xb8;
	[tilespmem:$0x1CC00] =	vst v63  }
0x4f: {  	p0 =	sne.s32 s24, $0x9E00;
	_ =	swait.ge [sflag:s16], $0x4000  }
.Ltmp1:
0x50: {  	[sflag:s16] =	ssyncset.done $0x0;
	(pc) =	sbr.rel @p0 .LBB2_4-.Ltmp1, $4  }
0x51: {  	s24 =	sadd.s32 $0x2800, s25;
	[sflag:s16] =	ssyncadd.s32 $0xFFFFC000  }
0x52: {  	[spmem:s2] =	stream.indirect.scatter.add.f32 [tilespmem:s15], [sflag:$0x3], $0x80, s24, s18, $0xb8;
	[tilespmem:$0x1CC00] =	vst v63  }
0x53: {  	_ =	swait.ge [sflag:s19], $0x4000  }
0x54: {  	s24 =	smov.u32 s26;
	[sflag:s19] =	ssyncset.done $0x0  }
0x55: {  	s23 =	sshra.s32 s23, $0x2;
	[sflag:s19] =	ssyncadd.s32 $0xFFFFC000  }
0x56: {  	[tilespmem:s15], [sflag:$0x1] =	stream.indirect.gather [hbm4b:s1+s18], $0x80, s23, s18, $0xb8;
	[tilespmem:$0x1CC00] =	vst v63  }
0x57: {  	_ =	swait.ge [sflag:s16], $0x4000  }
0x58: {  	[sflag:s16] =	ssyncset.done $0x0  }
0x59: {  	s23 =	sadd.s32 $0x2800, s23;
	[sflag:s16] =	ssyncadd.s32 $0xFFFFC000  }
0x5a: {  	[spmem:s2] =	stream.indirect.scatter.add.f32 [tilespmem:s15], [sflag:$0x3], $0x80, s23, s18, $0xb8;
	[tilespmem:$0x1CC00] =	vst v63  }
0x5b: {  	_ =	swait.ge [sflag:s19], $0x4000  }
0x5c: {  	s22 =	sadd.s32 $0x1, s22;
	[sflag:s19] =	ssyncset.done $0x0  }
0x5d: {  	p0 =	sne.s32 s22, s13;
	[sflag:s19] =	ssyncadd.s32 $0xFFFFC000  }
.Ltmp2:
0x5e: {  	[bflag:$0x0] =	sbarrier.arrive $0xFFFF;
	(pc) =	sbr.rel @p0 .LBB2_1-.Ltmp2, $4  }
0x5f: {  	[hbm:s12], [sflag:s20] =	dma.local [spmem:s21], $0x2780  }
0x60: {  	_ =	swait.ge [sflag:s19], $0x2780  }
0x61: {  	[sflag:s19] =	ssyncset.done $0x0  }
0x62: {  	[sflag:s19] =	ssyncadd.s32 $0xFFFFD880  }
0x63: {  	_ =	sfence.sel $0x180000  }
0x64: {  	[bflag:$0x0] =	sbarrier.arrive $0xFFFF  }
0x65: {  	p0 =	sne.s32 s3, $0x0;
	_ =	strace $0x9000004A  }
0x66: {  	s0 =	sadd.s32 @!p0 $0x100000, s0;
	[bflag:$0x2] =	sbarrier.arrive $0xFFFF  }
0x67: {  	[sflag:s0] =	ssyncadd.tile.s32 @!p0 $0x1;
	_ =	shalt  }
.Lfunc_end2:
_tile_overlayer_lowered:
.L_overlay_start_2:
0x68: {  	(tag) =	ssettag $0x2  }
0x69: {  	s0 =	rddreg [dreg:$0x0];
	s2 =	stileid.u32  }
0x6a: {  	s1 =	rddreg [dreg:$0x1];
	p0 =	sne.s32 s2, $0x0  }
0x6b: {  	s3 =	rddreg [dreg:$0x2];
	[bflag:$0x3] =	sbarrier.arrive $0xFFFF;
	s2 =	simm.s32 @!p0 $0x1C03  }
0x6c: {  	[timem:s3], [sflag:s2] =	dma.local @!p0 [hbm:s0], s1  }
0x6d: {  	s0 =	simm.s32 @!p0 $0x3  }
0x6e: {  	_ =	swait.ge @!p0 [sflag:s0], s1  }
0x6f: {  	s1 =	ssub.s32 @!p0 $0x0, s1;
	[sflag:s0] =	ssyncset.done @!p0 $0x0  }
0x70: {  	[sflag:s0] =	ssyncadd.s32 @!p0 s1  }
0x71: {  	[bflag:$0x3] =	sbarrier.arrive $0xFFFF  }
0x72: {  	_ =	shalt  }

// kernel: kernel.16.cloned.1.call-start
scs
__scs_entry_jumppad:
0x0: {  	(pc) =	sbr.rel $0x88, $3  }
0x1: {  	(tag) =	ssettag $0x0;
	lr =	simm.s32 $0x1  }
0x2: {  	[smem:$0x3F95] =	sst lr;
	_ =	strace $0xD0000000  }
0x3: {  	_ = 	snop  }
0x4: {  	_ = 	snop  }
0x5: {  	_ = 	snop  }
0x6: {  	_ = 	snop  }
0x7: {  	_ = 	snop  }
__scs_overlays_trampoline_lowered:
0x8: {  	[smem:$0x3FA4] =	sst s0  }
0x9: {  	[smem:$0x3FA5] =	sst s1  }
0xa: {  	[smem:$0x3FA6] =	sst s2  }
0xb: {  	[smem:$0x3FA7] =	sst s3  }
0xc: {  	[smem:$0x3FA8] =	sst s4  }
0xd: {  	[smem:$0x3FA9] =	sst s5  }
0xe: {  	[smem:$0x3FAA] =	sst s6  }
0xf: {  	[smem:$0x3FAB] =	sst s7  }
0x10: {  	[smem:$0x3FAC] =	sst s8  }
0x11: {  	[smem:$0x3FAD] =	sst s9;
	s0 =	simm.s32 @!p0 $0x0  }
0x12: {  	s1 =	sld [smem:$0x3F93];
	s0 =	simm.s32 @p0 $0x1  }
0x13: {  	[smem:$0x3FAE] =	sst s0;
	s0 =	simm.s32 @!p1 $0x0  }
0x14: {  	s2 =	sld [smem:$0x3F92];
	s0 =	simm.s32 @p1 $0x1  }
0x15: {  	[smem:$0x3FAF] =	sst s0;
	s0 =	simm.s32 @!p2 $0x0  }
0x16: {  	s3 =	sld [smem:$0x3FDB];
	s0 =	simm.s32 @p2 $0x1  }
0x17: {  	s4 =	simm.s32 $0x1BF5;
	[smem:$0x3FB1] =	sst s0  }
0x18: {  	s0 =	sld [smem:$0x3F94];
	_ =	swait.ge [sflag:s4], $0x0  }
0x19: {  	s7 =	sld [smem:$0x3F95]  }
0x1a: {  	s8 =	sadd.s32 $0xFFFFE003, lr  }
0x1b: {  	s9 =	sadd.s32 $0xFFFFFEF7, lr;
	s5 =	simm.s32 $0xFFFFFFFF;
	p2 =	slt.u32 s8, $0xFFFFF086  }
0x1c: {  	p1 =	slt.u32 s9, $0xF7A;
	s5 =	simm.s32 @!p2 $0x0  }
0x1d: {  	s5 =	simm.s32 @p1 $0x1;
	p0 =	seq.s32 s7, s2  }
0x1e: {  	s7 =	smul.u32 @!p0 $0xF7A, s2;
	p2 =	seq.s32 @!p0 s5, $0x0  }
0x1f: {  	s9 =	smul.u32 $0xF7A, s1;
	s8 =	simm.s32 @!p0 $0x1BF5;
	p2 =	por !p2, p0  }
0x20: {  	[sflag:s8] =	ssyncset.s32 @!p0 $0xFFFFF086;
	s6 =	sadd.s32 @!p0 s3, s7;
	s7 =	simm.s32 @!p0 $0x108  }
0x21: {  	s3 =	sadd.s32 s3, s9;
	s6 =	sadd.s32 @!p0 $0x88, s6;
	s7 =	simm.s32 @p2 $0x1082  }
0x22: {  	[simem:s7], [sflag:s8] =	dma.local @!p0 [hbm:s6], $0xF7A  }
0x23: {  	s9 =	sor.u32 $0xD0000000, s2;
	s6 =	simm.s32 $0x108;
	_ =	swait.ge @!p0 [sflag:s8], $0x0  }
0x24: {  	s3 =	sadd.s32 $0x88, s3;
	s6 =	simm.s32 @!p1 $0x1082;
	[sflag:s4] =	ssyncset.s32 $0xFFFFF086  }
0x25: {  	[simem:s6], [sflag:s4] =	dma.local [hbm:s3], $0xF7A  }
0x26: {  	[smem:$0x3F95] =	sst s1;
	(tag) =	ssettag s2;
	_ =	strace s9  }
0x27: {  	s1 =	sld [smem:$0x3FA5]  }
0x28: {  	s2 =	sld [smem:$0x3FA6]  }
0x29: {  	s4 =	sld [smem:$0x3FA8]  }
0x2a: {  	p0 =	seq.s32 s5, $0x0;
	s5 =	sld [smem:$0x3FA9]  }
0x2b: {  	s6 =	sld [smem:$0x3FAA]  }
0x2c: {  	s7 =	sld [smem:$0x3FAB]  }
0x2d: {  	s3 =	simm.s32 $0x108;
	s8 =	sld [smem:$0x3FAC]  }
0x2e: {  	s3 =	simm.s32 @!p0 $0x1082;
	s9 =	sld [smem:$0x3FAD]  }
0x2f: {  	lr =	sadd.s32 s0, s3;
	s0 =	sld [smem:$0x3FA4]  }
0x30: {  	s3 =	sld [smem:$0x3FA7]  }
0x31: {  	[smem:$0x3FB0] =	sst s10  }
0x32: {  	s10 =	sld [smem:$0x3FAE];
	_ =	sdelay $0x3  }
0x33: {  	p0 =	seq.s32 s10, $0x1;
	s10 =	sld [smem:$0x3FB0];
	_ =	sdelay $0x3  }
0x34: {  	[smem:$0x3FB0] =	sst s10  }
0x35: {  	s10 =	sld [smem:$0x3FAF];
	_ =	sdelay $0x3  }
0x36: {  	p1 =	seq.s32 s10, $0x1;
	s10 =	sld [smem:$0x3FB0];
	_ =	sdelay $0x3  }
0x37: {  	[smem:$0x3FB0] =	sst s10  }
0x38: {  	s10 =	sld [smem:$0x3FB1]  }
0x39: {  	_ = 	snop;
	(pc) =	sbr.ind lr, $3  }
0x3a: {  	_ = 	snop  }
0x3b: {  	_ = 	snop  }
0x3c: {  	p2 =	seq.s32 s10, $0x1;
	s10 =	sld [smem:$0x3FB0]  }
0x3d: {  	_ =	shalt  }
0x3e: {  	_ =	shalt  }
0x3f: {  	_ =	shalt  }
0x40: {  	_ =	shalt  }
0x41: {  	_ =	shalt  }
0x42: {  	_ =	shalt  }
0x43: {  	_ =	shalt  }
0x44: {  	_ =	shalt  }
0x45: {  	_ =	shalt  }
0x46: {  	_ =	shalt  }
0x47: {  	_ =	shalt  }
0x48: {  	_ =	shalt  }
0x49: {  	_ =	shalt  }
0x4a: {  	_ =	shalt  }
0x4b: {  	_ =	shalt  }
0x4c: {  	_ =	shalt  }
0x4d: {  	_ =	shalt  }
0x4e: {  	_ =	shalt  }
0x4f: {  	_ =	shalt  }
0x50: {  	_ =	shalt  }
0x51: {  	_ =	shalt  }
0x52: {  	_ =	shalt  }
0x53: {  	_ =	shalt  }
0x54: {  	_ =	shalt  }
0x55: {  	_ =	shalt  }
0x56: {  	_ =	shalt  }
0x57: {  	_ =	shalt  }
0x58: {  	_ =	shalt  }
0x59: {  	_ =	shalt  }
0x5a: {  	_ =	shalt  }
0x5b: {  	_ =	shalt  }
0x5c: {  	_ =	shalt  }
0x5d: {  	_ =	shalt  }
0x5e: {  	_ =	shalt  }
0x5f: {  	_ =	shalt  }
0x60: {  	_ =	shalt  }
0x61: {  	_ =	shalt  }
0x62: {  	_ =	shalt  }
0x63: {  	_ =	shalt  }
0x64: {  	_ =	shalt  }
0x65: {  	_ =	shalt  }
0x66: {  	_ =	shalt  }
0x67: {  	_ =	shalt  }
0x68: {  	_ =	shalt  }
0x69: {  	_ =	shalt  }
0x6a: {  	_ =	shalt  }
0x6b: {  	_ =	shalt  }
0x6c: {  	_ =	shalt  }
0x6d: {  	_ =	shalt  }
0x6e: {  	_ =	shalt  }
0x6f: {  	_ =	shalt  }
0x70: {  	_ =	shalt  }
0x71: {  	_ =	shalt  }
0x72: {  	_ =	shalt  }
0x73: {  	_ =	shalt  }
0x74: {  	_ =	shalt  }
0x75: {  	_ =	shalt  }
0x76: {  	_ =	shalt  }
0x77: {  	_ =	shalt  }
0x78: {  	_ =	shalt  }
0x79: {  	_ =	shalt  }
0x7a: {  	_ =	shalt  }
0x7b: {  	_ =	shalt  }
0x7c: {  	_ =	shalt  }
0x7d: {  	_ =	shalt  }
0x7e: {  	_ =	shalt  }
0x7f: {  	_ =	shalt  }
0x80: {  	_ =	shalt  }
0x81: {  	_ =	shalt  }
0x82: {  	_ =	shalt  }
0x83: {  	_ =	shalt  }
0x84: {  	_ =	shalt  }
0x85: {  	_ =	shalt  }
0x86: {  	_ =	shalt  }
0x87: {  	_ =	shalt  }
.Lfunc_end0:
.L_simem_size_0:
called_computation.2_lowered:
.L_overlay_start_0:
0x88: {  	s2 =	sld [smem:$0x3FD9]  }
0x89: {  	s3 =	sld [smem:$0x3FFE];
	_ =	sdelay $0x1  }
0x8a: {  	s1 =	srdreg.scid  }
0x8b: {  	s0 =	sand.u32 $0x1, s1  }
0x8c: {  	s14 =	sshll.u32 s0, $0xA;
	s2 =	sadd.s32 s3, s2  }
0x8d: {  	s2 =	sadd.s32 s2, s14  }
0x8e: {  	[smem:$0x3FBC] =	sst s2  }
0x8f: {  	_ = 	snop  }
0x90: {  	s2 =	sld [smem:$0x3FD0];
	_ =	sdelay $0x2  }
0x91: {  	s15 =	simm.s32 $0xA;
	s4 =	simm.s32 $0x10  }
0x92: {  	[smem:s4], [sflag:s15] =	dma.local [hbm:s2], $0x1  }
0x93: {  	_ =	swait.eq [sflag:s15], $0x1  }
0x94: {  	s16 =	sld [smem:$0x10];
	[sflag:s15] =	ssyncset.done $0x0  }
0x95: {  	s17 =	sld [smem:$0x14];
	[sflag:s15] =	ssyncadd.s32 $0xFFFFFFFF  }
0x96: {  	s18 =	sld [smem:$0x16];
	(tm) =	ssettm $0x1  }
0x97: {  	s5 =	sld [smem:$0x3FFB];
	_ =	sdelay $0x3  }
0x98: {  	_ =	strace s5  }
0x99: {  	s5 =	sld [smem:$0x3FFC];
	_ =	sdelay $0x3  }
0x9a: {  	_ =	strace s5  }
0x9b: {  	s5 =	sld [smem:$0x3FFD];
	_ =	sdelay $0x3  }
0x9c: {  	_ =	strace s5  }
0x9d: {  	_ =	strace $0x8FFFFFFF  }
0x9e: {  	s19 =	sld [smem:$0x3FDB];
	_ =	sdelay $0x1  }
0x9f: {  	s6 =	simm.s32 $_scs_section_size  }
0xa0: {  	s7 =	simm.s32 $_size__tile_overlayer_lowered;
	s8 =	simm.s32 $_tile_overlayer_lowered  }
0xa1: {  	s22 =	simm.s32 $0x1BFF;
	s21 =	sshll.u32 s8, $0x1;
	s5 =	sadd.s32 s6, s19  }
0xa2: {  	s9 =	simm.s32 $0x0;
	s20 =	sshll.u32 s7, $0x1;
	s7 =	sadd.s32 s21, s5  }
0xa3: {  	[timem:s9], [sflag:s22] =	dma.local [hbm:s7], s20  }
0xa4: {  	_ =	swait.ge [sflag:s22], s20  }
0xa5: {  	s6 =	ssub.s32 $0x0, s20;
	[sflag:s22] =	ssyncset.done $0x0  }
0xa6: {  	[sflag:s22] =	ssyncadd.s32 s6;
	_ =	sdelay $0x1  }
0xa7: {  	s23 =	simm.s32 $0x1B8B  }
0xa8: {  	_ =	swait.ge [sflag:s23], $0x1  }
0xa9: {  	[sflag:s23] =	ssyncset.done $0x0  }
0xaa: {  	s25 =	simm.s32 $0x1B8E;
	s24 =	sld [smem:$0x3FFE];
	[sflag:s23] =	ssyncadd.s32 $0xFFFFFFFF  }
0xab: {  	s26 =	simm.s32 $execute0_lowered;
	[smem:$0x3FD2] =	sst s25  }
0xac: {  	s7 =	sshll.u32 s26, $0x1;
	_ =	strace $0x8000004C;
	[dreg:$0x1] =	wrdreg $0xFFFFFFFF  }
0xad: {  	s28 =	simm.s32 $_size_execute0_lowered;
	s5 =	sadd.s32 s5, s7;
	[dreg:$0x0] =	wrdreg $0x0  }
0xae: {  	s7 =	sshll.u32 s28, $0x1;
	[dreg:$0x2] =	wrdreg s5  }
0xaf: {  	[dreg:$0x3] =	wrdreg s7  }
0xb0: {  	[dreg:$0x4] =	wrdreg $0xC0  }
0xb1: {  	_ =	task [dreg:s9], $0x5FFFF  }
0xb2: {  	[dreg:$0x1] =	wrdreg $0xFFFFFFFF  }
0xb3: {  	[dreg:$0x0] =	wrdreg $0x60  }
0xb4: {  	[dreg:$0x2] =	wrdreg s18  }
0xb5: {  	[dreg:$0x3] =	wrdreg s16  }
0xb6: {  	[dreg:$0x4] =	wrdreg s17  }
0xb7: {  	[dreg:$0x5] =	wrdreg s24  }
0xb8: {  	[dreg:$0x6] =	wrdreg $0x90000  }
0xb9: {  	[dreg:$0x7] =	wrdreg $0x9  }
0xba: {  	_ =	task.clear_ibuf [dreg:s9], $0x8FFFF;
	_ =	strace $0x9000004C  }
0xbb: {  	s29 =	simm.s32 $0x9;
	_ =	strace $0x8000004E  }
0xbc: {  	_ =	swait.ge [sflag:s29], $0x1  }
0xbd: {  	[sflag:s29] =	ssyncadd.s32 $0xFFFFFFFF  }
0xbe: {  	_ =	strace $0x9000004E  }
0xbf: {  	_ =	sfence  }
0xc0: {  	s30 =	sld [smem:$0x0];
	_ =	sdelay $0x2  }
0xc1: {  	s31 =	sshll.u32 s1, $0xD;
	s1 =	sshrl.u32 s1, $0x2  }
0xc2: {  	s3 =	sand.u32 $0x4000, s31;
	s1 =	sadd.s32 s1, s30  }
0xc3: {  	s0 =	sor.u32 s3, s0;
	s1 =	sshll.u32 s1, $0x11  }
0xc4: {  	s0 =	sor.u32 s1, s0  }
0xc5: {  	s0 =	sadd.s32 $0x8F2B, s0  }
0xc6: {  	[sflag:s0] =	ssyncadd.remote.s32 $0x1  }
0xc7: {  	_ =	sfence.sel $0xFFFF  }
0xc8: {  	[dreg:$0x0] =	wrdreg $0xFFFFFFFF;
	(pc) =	sbr.abs _section_cstart, $3  }
0xc9: {  	[dreg:$0x1] =	wrdreg $0xFFFFFFFF  }
0xca: {  	_ =	task.clear_ibuf [dreg:s9], $0x2FFFF;
	_ =	strace $0x9FFFFFFF  }
0xcb: {  	(tm) =	ssettm $0x7FFFFFFF  }
tec
execute0_lowered:
.L_overlay_start_1:
0x0: {  	(tag) =	ssettag $0x1  }
0x1: {  	s6 =	rddreg [dreg:$0x0]  }
0x2: {  	s7 =	rddreg [dreg:$0x1]  }
0x3: {  	s1 =	rddreg [dreg:$0x2]  }
0x4: {  	s5 =	rddreg [dreg:$0x3]  }
0x5: {  	s2 =	rddreg [dreg:$0x4]  }
0x6: {  	s3 =	srdreg.scid;
	s0 =	rddreg [dreg:$0x5];
	s4 =	simm.s32 $0x0  }
0x7: {  	s15 =	simm.s32 $0x5000;
	s16 =	simm.s32 $0x1;
	s17 =	simm.s32 $0x2  }
0x8: {  	s18 =	simm.s32 $0x80;
	s8 =	sand.u32 $0x1, s3;
	s3 =	stileid.u32  }
0x9: {  	s19 =	simm.s32 $0x3;
	[smem:$0x7FF] =	sst s4;
	s9 =	smul.u32 $0x13C000, s8  }
0xa: {  	s22 =	simm.s32 $0x0;
	s10 =	smul.u32 $0x13C00, s3;
	_ =	strace $0x8000004D  }
0xb: {  	s31 =	sshll.u32 s8, $0x4;
	s11 =	smul.u32 $0x4F000, s3;
	s8 =	ssub.s32 $0x2, s8  }
0xc: {  	s20 =	sshll.u32 s3, $0x6;
	s9 =	sadd.s32 s10, s9;
	s10 =	sor.u32 s3, s31  }
0xd: {  	s12 =	sshrl.u32 s8, $0x1;
	s20 =	sor.u32 $0x1C03, s20;
	s10 =	smul.u32 $0x500, s10  }
0xe: {  	s11 =	sshrl.u32 s11, $0x2;
	s14 =	ssub.s32 s8, s12;
	s9 =	sshrl.u32 s9, $0x3  }
0xf: {  	s13 =	sadd.s32 s9, s5;
	s5 =	sadd.s32 s11, s2;
	s6 =	sadd.s32 s6, s10  }
0x10: {  	s7 =	sadd.s32 s7, s10;
	s8 =	sadd.s32 $0x4000, s5;
	s9 =	sadd.s32 $0x8000, s5  }
0x11: {  	s10 =	sadd.s32 $0xC000, s5;
	s11 =	sadd.s32 $0x10000, s5;
	s12 =	sadd.s32 $0x4E00, s13  }
0x12: {  	v0 =	vimm.f32 $0.0e+00;
	s13 =	smax.u32 s14, $0x1;
	s14 =	simm.s32 $0x2800;
	s21 =	sshrl.u32 s5, $0x3  }
.LBB2_1:
0x13: {  	[tilespmem:s4], [sflag:$0x2] =	stream.linear.gather [hbm4b:s6+s4], $0x2800, $0x38;
	[tilespmem:$0x1CC00] =	vst v63  }
0x14: {  	s23 =	simm.s32 $0x0;
	s24 =	simm.s32 $0x200  }
0x15: {  	[tilespmem:s14], [sflag:$0x2] =	stream.linear.gather [hbm4b:s7+s4], $0x2800, $0x38;
	[tilespmem:$0x1CC00] =	vst v63  }
.LBB2_2:
0x16: {  	p0 =	sne.s32 s24, $0xFE00;
	[tilespmem:s23+$0x5070] =	vst v0  }
0x17: {  	[tilespmem:s23+$0x5000] =	vst v0  }
0x18: {  	[tilespmem:s23+$0x5010] =	vst v0  }
.Ltmp0:
0x19: {  	[tilespmem:s23+$0x5020] =	vst v0;
	(pc) =	sbr.rel @p0 .LBB2_2-.Ltmp0, $4  }
0x1a: {  	[tilespmem:s23+$0x5030] =	vst v0  }
0x1b: {  	[tilespmem:s23+$0x5040] =	vst v0  }
0x1c: {  	[tilespmem:s23+$0x5050] =	vst v0  }
0x1d: {  	[tilespmem:s23+$0x5060] =	vst v0;
	s23 =	sshra.s32 s24, $0x2;
	s24 =	sadd.s32 $0x200, s24  }
0x1e: {  	[tilespmem:s23+$0x5070] =	vst v0  }
0x1f: {  	[tilespmem:s23+$0x5000] =	vst v0  }
0x20: {  	[tilespmem:s23+$0x5010] =	vst v0  }
0x21: {  	[tilespmem:s23+$0x5020] =	vst v0  }
0x22: {  	[tilespmem:s23+$0x5030] =	vst v0  }
0x23: {  	[tilespmem:s23+$0x5040] =	vst v0  }
0x24: {  	[tilespmem:s23+$0x5050] =	vst v0  }
0x25: {  	[tilespmem:s23+$0x5060] =	vst v0  }
0x26: {  	[spmem:s5] =	stream.linear.scatter [tilespmem:s15], [sflag:$0x1], $0x4000, $0x38;
	[tilespmem:$0x1CC00] =	vst v63  }
0x27: {  	_ = 	snop  }
0x28: {  	[spmem:s8] =	stream.linear.scatter [tilespmem:s15], [sflag:$0x1], $0x4000, $0x38;
	[tilespmem:$0x1CC00] =	vst v63  }
0x29: {  	_ = 	snop  }
0x2a: {  	[spmem:s9] =	stream.linear.scatter [tilespmem:s15], [sflag:$0x1], $0x4000, $0x38;
	[tilespmem:$0x1CC00] =	vst v63  }
0x2b: {  	_ = 	snop  }
0x2c: {  	[spmem:s10] =	stream.linear.scatter [tilespmem:s15], [sflag:$0x1], $0x4000, $0x38;
	[tilespmem:$0x1CC00] =	vst v63  }
0x2d: {  	_ = 	snop  }
0x2e: {  	[spmem:s11] =	stream.linear.scatter [tilespmem:s15], [sflag:$0x1], $0x3C00, $0x38;
	[tilespmem:$0x1CC00] =	vst v63  }
0x2f: {  	_ =	swait.ge [sflag:s16], $0x4000  }
0x30: {  	[sflag:s16] =	ssyncset.done $0x0  }
0x31: {  	[sflag:s16] =	ssyncadd.s32 $0xFFFFC000  }
0x32: {  	_ =	swait.ge [sflag:s16], $0x4000  }
0x33: {  	[sflag:s16] =	ssyncset.done $0x0  }
0x34: {  	[sflag:s16] =	ssyncadd.s32 $0xFFFFC000  }
0x35: {  	_ =	swait.ge [sflag:s16], $0x4000  }
0x36: {  	[sflag:s16] =	ssyncset.done $0x0  }
0x37: {  	[sflag:s16] =	ssyncadd.s32 $0xFFFFC000  }
0x38: {  	_ =	swait.ge [sflag:s16], $0x4000  }
0x39: {  	[sflag:s16] =	ssyncset.done $0x0  }
0x3a: {  	[sflag:s16] =	ssyncadd.s32 $0xFFFFC000  }
0x3b: {  	_ =	swait.ge [sflag:s16], $0x3C00  }
0x3c: {  	[sflag:s16] =	ssyncset.done $0x0  }
0x3d: {  	[sflag:s16] =	ssyncadd.s32 $0xFFFFC400  }
0x3e: {  	_ =	swait.ge [sflag:s17], $0x2800  }
0x3f: {  	[sflag:s17] =	ssyncset.done $0x0  }
0x40: {  	[sflag:s17] =	ssyncadd.s32 $0xFFFFD800  }
0x41: {  	_ =	swait.ge [sflag:s17], $0x2800  }
0x42: {  	[sflag:s17] =	ssyncset.done $0x0  }
0x43: {  	[sflag:s17] =	ssyncadd.s32 $0xFFFFD800  }
0x44: {  	s30 =	simm.s32 $0x0;
	[bflag:$0x0] =	sbarrier.arrive $0xFFFF  }
0x45: {  	[tilespmem:s15], [sflag:$0x1] =	stream.indirect.gather [hbm4b:s1+s18], $0x80, s30, s18, $0xb8;
	[tilespmem:$0x1CC00] =	vst v63  }
0x46: {  	_ =	swait.ge [sflag:s16], $0x4000  }
0x47: {  	[sflag:s16] =	ssyncset.done $0x0  }
0x48: {  	s31 =	simm.s32 $0x2800;
	[sflag:s16] =	ssyncadd.s32 $0xFFFFC000  }
0x49: {  	[spmem:s2] =	stream.indirect.scatter.add.f32 [tilespmem:s15], [sflag:$0x3], $0x80, s31, s18, $0xb8;
	[tilespmem:$0x1CC00] =	vst v63  }
0x4a: {  	_ =	swait.ge [sflag:s19], $0x4000  }
0x4b: {  	s23 =	simm.s32 $0x200;
	s24 =	simm.s32 $0x400;
	[sflag:s19] =	ssyncset.done $0x0  }
.LBB2_4:
0x4c: {  	s25 =	sshra.s32 s23, $0x2  }
0x4d: {  	[sflag:s19] =	ssyncadd.s32 $0xFFFFC000;
	s23 =	smov.u32 s24;
	s26 =	sadd.s32 $0x200, s24  }
0x4e: {  	[tilespmem:s15], [sflag:$0x1] =	stream.indirect.gather [hbm4b:s1+s18], $0x80, s25, s18, $0xb8;
	[tilespmem:$0x1CC00] =	vst v63  }
0x4f: {  	p0 =	sne.s32 s24, $0x9E00;
	_ =	swait.ge [sflag:s16], $0x4000  }
.Ltmp1:
0x50: {  	[sflag:s16] =	ssyncset.done $0x0;
	(pc) =	sbr.rel @p0 .LBB2_4-.Ltmp1, $4  }
0x51: {  	s24 =	sadd.s32 $0x2800, s25;
	[sflag:s16] =	ssyncadd.s32 $0xFFFFC000  }
0x52: {  	[spmem:s2] =	stream.indirect.scatter.add.f32 [tilespmem:s15], [sflag:$0x3], $0x80, s24, s18, $0xb8;
	[tilespmem:$0x1CC00] =	vst v63  }
0x53: {  	_ =	swait.ge [sflag:s19], $0x4000  }
0x54: {  	s24 =	smov.u32 s26;
	[sflag:s19] =	ssyncset.done $0x0  }
0x55: {  	s23 =	sshra.s32 s23, $0x2;
	[sflag:s19] =	ssyncadd.s32 $0xFFFFC000  }
0x56: {  	[tilespmem:s15], [sflag:$0x1] =	stream.indirect.gather [hbm4b:s1+s18], $0x80, s23, s18, $0xb8;
	[tilespmem:$0x1CC00] =	vst v63  }
0x57: {  	_ =	swait.ge [sflag:s16], $0x4000  }
0x58: {  	[sflag:s16] =	ssyncset.done $0x0  }
0x59: {  	s23 =	sadd.s32 $0x2800, s23;
	[sflag:s16] =	ssyncadd.s32 $0xFFFFC000  }
0x5a: {  	[spmem:s2] =	stream.indirect.scatter.add.f32 [tilespmem:s15], [sflag:$0x3], $0x80, s23, s18, $0xb8;
	[tilespmem:$0x1CC00] =	vst v63  }
0x5b: {  	_ =	swait.ge [sflag:s19], $0x4000  }
0x5c: {  	s22 =	sadd.s32 $0x1, s22;
	[sflag:s19] =	ssyncset.done $0x0  }
0x5d: {  	p0 =	sne.s32 s22, s13;
	[sflag:s19] =	ssyncadd.s32 $0xFFFFC000  }
.Ltmp2:
0x5e: {  	[bflag:$0x0] =	sbarrier.arrive $0xFFFF;
	(pc) =	sbr.rel @p0 .LBB2_1-.Ltmp2, $4  }
0x5f: {  	[hbm:s12], [sflag:s20] =	dma.local [spmem:s21], $0x2780  }
0x60: {  	_ =	swait.ge [sflag:s19], $0x2780  }
0x61: {  	[sflag:s19] =	ssyncset.done $0x0  }
0x62: {  	[sflag:s19] =	ssyncadd.s32 $0xFFFFD880  }
0x63: {  	_ =	sfence.sel $0x180000  }
0x64: {  	[bflag:$0x0] =	sbarrier.arrive $0xFFFF  }
0x65: {  	p0 =	sne.s32 s3, $0x0;
	_ =	strace $0x9000004D  }
0x66: {  	s0 =	sadd.s32 @!p0 $0x100000, s0;
	[bflag:$0x2] =	sbarrier.arrive $0xFFFF  }
0x67: {  	[sflag:s0] =	ssyncadd.tile.s32 @!p0 $0x1;
	_ =	shalt  }
.Lfunc_end2:
_tile_overlayer_lowered:
.L_overlay_start_2:
0x68: {  	(tag) =	ssettag $0x2  }
0x69: {  	s0 =	rddreg [dreg:$0x0];
	s2 =	stileid.u32  }
0x6a: {  	s1 =	rddreg [dreg:$0x1];
	p0 =	sne.s32 s2, $0x0  }
0x6b: {  	s3 =	rddreg [dreg:$0x2];
	[bflag:$0x3] =	sbarrier.arrive $0xFFFF;
	s2 =	simm.s32 @!p0 $0x1C03  }
0x6c: {  	[timem:s3], [sflag:s2] =	dma.local @!p0 [hbm:s0], s1  }
0x6d: {  	s0 =	simm.s32 @!p0 $0x3  }
0x6e: {  	_ =	swait.ge @!p0 [sflag:s0], s1  }
0x6f: {  	s1 =	ssub.s32 @!p0 $0x0, s1;
	[sflag:s0] =	ssyncset.done @!p0 $0x0  }
0x70: {  	[sflag:s0] =	ssyncadd.s32 @!p0 s1  }
0x71: {  	[bflag:$0x3] =	sbarrier.arrive $0xFFFF  }
0x72: {  	_ =	shalt  }

// kernel: kernel.19.cloned.1.call-start
scs
__scs_entry_jumppad:
0x0: {  	(pc) =	sbr.rel $0x88, $3  }
0x1: {  	(tag) =	ssettag $0x0;
	lr =	simm.s32 $0x1  }
0x2: {  	[smem:$0x3F95] =	sst lr;
	_ =	strace $0xD0000000  }
0x3: {  	_ = 	snop  }
0x4: {  	_ = 	snop  }
0x5: {  	_ = 	snop  }
0x6: {  	_ = 	snop  }
0x7: {  	_ = 	snop  }
__scs_overlays_trampoline_lowered:
0x8: {  	[smem:$0x3FA4] =	sst s0  }
0x9: {  	[smem:$0x3FA5] =	sst s1  }
0xa: {  	[smem:$0x3FA6] =	sst s2  }
0xb: {  	[smem:$0x3FA7] =	sst s3  }
0xc: {  	[smem:$0x3FA8] =	sst s4  }
0xd: {  	[smem:$0x3FA9] =	sst s5  }
0xe: {  	[smem:$0x3FAA] =	sst s6  }
0xf: {  	[smem:$0x3FAB] =	sst s7  }
0x10: {  	[smem:$0x3FAC] =	sst s8  }
0x11: {  	[smem:$0x3FAD] =	sst s9;
	s0 =	simm.s32 @!p0 $0x0  }
0x12: {  	s1 =	sld [smem:$0x3F93];
	s0 =	simm.s32 @p0 $0x1  }
0x13: {  	[smem:$0x3FAE] =	sst s0;
	s0 =	simm.s32 @!p1 $0x0  }
0x14: {  	s2 =	sld [smem:$0x3F92];
	s0 =	simm.s32 @p1 $0x1  }
0x15: {  	[smem:$0x3FAF] =	sst s0;
	s0 =	simm.s32 @!p2 $0x0  }
0x16: {  	s3 =	sld [smem:$0x3FDB];
	s0 =	simm.s32 @p2 $0x1  }
0x17: {  	s4 =	simm.s32 $0x1BF5;
	[smem:$0x3FB1] =	sst s0  }
0x18: {  	s0 =	sld [smem:$0x3F94];
	_ =	swait.ge [sflag:s4], $0x0  }
0x19: {  	s7 =	sld [smem:$0x3F95]  }
0x1a: {  	s8 =	sadd.s32 $0xFFFFE003, lr  }
0x1b: {  	s9 =	sadd.s32 $0xFFFFFEF7, lr;
	s5 =	simm.s32 $0xFFFFFFFF;
	p2 =	slt.u32 s8, $0xFFFFF086  }
0x1c: {  	p1 =	slt.u32 s9, $0xF7A;
	s5 =	simm.s32 @!p2 $0x0  }
0x1d: {  	s5 =	simm.s32 @p1 $0x1;
	p0 =	seq.s32 s7, s2  }
0x1e: {  	s7 =	smul.u32 @!p0 $0xF7A, s2;
	p2 =	seq.s32 @!p0 s5, $0x0  }
0x1f: {  	s9 =	smul.u32 $0xF7A, s1;
	s8 =	simm.s32 @!p0 $0x1BF5;
	p2 =	por !p2, p0  }
0x20: {  	[sflag:s8] =	ssyncset.s32 @!p0 $0xFFFFF086;
	s6 =	sadd.s32 @!p0 s3, s7;
	s7 =	simm.s32 @!p0 $0x108  }
0x21: {  	s3 =	sadd.s32 s3, s9;
	s6 =	sadd.s32 @!p0 $0x88, s6;
	s7 =	simm.s32 @p2 $0x1082  }
0x22: {  	[simem:s7], [sflag:s8] =	dma.local @!p0 [hbm:s6], $0xF7A  }
0x23: {  	s9 =	sor.u32 $0xD0000000, s2;
	s6 =	simm.s32 $0x108;
	_ =	swait.ge @!p0 [sflag:s8], $0x0  }
0x24: {  	s3 =	sadd.s32 $0x88, s3;
	s6 =	simm.s32 @!p1 $0x1082;
	[sflag:s4] =	ssyncset.s32 $0xFFFFF086  }
0x25: {  	[simem:s6], [sflag:s4] =	dma.local [hbm:s3], $0xF7A  }
0x26: {  	[smem:$0x3F95] =	sst s1;
	(tag) =	ssettag s2;
	_ =	strace s9  }
0x27: {  	s1 =	sld [smem:$0x3FA5]  }
0x28: {  	s2 =	sld [smem:$0x3FA6]  }
0x29: {  	s4 =	sld [smem:$0x3FA8]  }
0x2a: {  	p0 =	seq.s32 s5, $0x0;
	s5 =	sld [smem:$0x3FA9]  }
0x2b: {  	s6 =	sld [smem:$0x3FAA]  }
0x2c: {  	s7 =	sld [smem:$0x3FAB]  }
0x2d: {  	s3 =	simm.s32 $0x108;
	s8 =	sld [smem:$0x3FAC]  }
0x2e: {  	s3 =	simm.s32 @!p0 $0x1082;
	s9 =	sld [smem:$0x3FAD]  }
0x2f: {  	lr =	sadd.s32 s0, s3;
	s0 =	sld [smem:$0x3FA4]  }
0x30: {  	s3 =	sld [smem:$0x3FA7]  }
0x31: {  	[smem:$0x3FB0] =	sst s10  }
0x32: {  	s10 =	sld [smem:$0x3FAE];
	_ =	sdelay $0x3  }
0x33: {  	p0 =	seq.s32 s10, $0x1;
	s10 =	sld [smem:$0x3FB0];
	_ =	sdelay $0x3  }
0x34: {  	[smem:$0x3FB0] =	sst s10  }
0x35: {  	s10 =	sld [smem:$0x3FAF];
	_ =	sdelay $0x3  }
0x36: {  	p1 =	seq.s32 s10, $0x1;
	s10 =	sld [smem:$0x3FB0];
	_ =	sdelay $0x3  }
0x37: {  	[smem:$0x3FB0] =	sst s10  }
0x38: {  	s10 =	sld [smem:$0x3FB1]  }
0x39: {  	_ = 	snop;
	(pc) =	sbr.ind lr, $3  }
0x3a: {  	_ = 	snop  }
0x3b: {  	_ = 	snop  }
0x3c: {  	p2 =	seq.s32 s10, $0x1;
	s10 =	sld [smem:$0x3FB0]  }
0x3d: {  	_ =	shalt  }
0x3e: {  	_ =	shalt  }
0x3f: {  	_ =	shalt  }
0x40: {  	_ =	shalt  }
0x41: {  	_ =	shalt  }
0x42: {  	_ =	shalt  }
0x43: {  	_ =	shalt  }
0x44: {  	_ =	shalt  }
0x45: {  	_ =	shalt  }
0x46: {  	_ =	shalt  }
0x47: {  	_ =	shalt  }
0x48: {  	_ =	shalt  }
0x49: {  	_ =	shalt  }
0x4a: {  	_ =	shalt  }
0x4b: {  	_ =	shalt  }
0x4c: {  	_ =	shalt  }
0x4d: {  	_ =	shalt  }
0x4e: {  	_ =	shalt  }
0x4f: {  	_ =	shalt  }
0x50: {  	_ =	shalt  }
0x51: {  	_ =	shalt  }
0x52: {  	_ =	shalt  }
0x53: {  	_ =	shalt  }
0x54: {  	_ =	shalt  }
0x55: {  	_ =	shalt  }
0x56: {  	_ =	shalt  }
0x57: {  	_ =	shalt  }
0x58: {  	_ =	shalt  }
0x59: {  	_ =	shalt  }
0x5a: {  	_ =	shalt  }
0x5b: {  	_ =	shalt  }
0x5c: {  	_ =	shalt  }
0x5d: {  	_ =	shalt  }
0x5e: {  	_ =	shalt  }
0x5f: {  	_ =	shalt  }
0x60: {  	_ =	shalt  }
0x61: {  	_ =	shalt  }
0x62: {  	_ =	shalt  }
0x63: {  	_ =	shalt  }
0x64: {  	_ =	shalt  }
0x65: {  	_ =	shalt  }
0x66: {  	_ =	shalt  }
0x67: {  	_ =	shalt  }
0x68: {  	_ =	shalt  }
0x69: {  	_ =	shalt  }
0x6a: {  	_ =	shalt  }
0x6b: {  	_ =	shalt  }
0x6c: {  	_ =	shalt  }
0x6d: {  	_ =	shalt  }
0x6e: {  	_ =	shalt  }
0x6f: {  	_ =	shalt  }
0x70: {  	_ =	shalt  }
0x71: {  	_ =	shalt  }
0x72: {  	_ =	shalt  }
0x73: {  	_ =	shalt  }
0x74: {  	_ =	shalt  }
0x75: {  	_ =	shalt  }
0x76: {  	_ =	shalt  }
0x77: {  	_ =	shalt  }
0x78: {  	_ =	shalt  }
0x79: {  	_ =	shalt  }
0x7a: {  	_ =	shalt  }
0x7b: {  	_ =	shalt  }
0x7c: {  	_ =	shalt  }
0x7d: {  	_ =	shalt  }
0x7e: {  	_ =	shalt  }
0x7f: {  	_ =	shalt  }
0x80: {  	_ =	shalt  }
0x81: {  	_ =	shalt  }
0x82: {  	_ =	shalt  }
0x83: {  	_ =	shalt  }
0x84: {  	_ =	shalt  }
0x85: {  	_ =	shalt  }
0x86: {  	_ =	shalt  }
0x87: {  	_ =	shalt  }
.Lfunc_end0:
.L_simem_size_0:
called_computation.3_lowered:
.L_overlay_start_0:
0x88: {  	s2 =	sld [smem:$0x3FD9]  }
0x89: {  	s3 =	sld [smem:$0x3FFE];
	_ =	sdelay $0x1  }
0x8a: {  	s1 =	srdreg.scid  }
0x8b: {  	s0 =	sand.u32 $0x1, s1  }
0x8c: {  	s14 =	sshll.u32 s0, $0xA;
	s2 =	sadd.s32 s3, s2  }
0x8d: {  	s2 =	sadd.s32 s2, s14  }
0x8e: {  	[smem:$0x3FBC] =	sst s2  }
0x8f: {  	_ = 	snop  }
0x90: {  	s2 =	sld [smem:$0x3FD0];
	_ =	sdelay $0x2  }
0x91: {  	s15 =	simm.s32 $0xA;
	s4 =	simm.s32 $0x10  }
0x92: {  	[smem:s4], [sflag:s15] =	dma.local [hbm:s2], $0x1  }
0x93: {  	_ =	swait.eq [sflag:s15], $0x1  }
0x94: {  	s16 =	sld [smem:$0x10];
	[sflag:s15] =	ssyncset.done $0x0  }
0x95: {  	s17 =	sld [smem:$0x15];
	[sflag:s15] =	ssyncadd.s32 $0xFFFFFFFF  }
0x96: {  	s18 =	sld [smem:$0x16];
	(tm) =	ssettm $0x1  }
0x97: {  	s5 =	sld [smem:$0x3FFB];
	_ =	sdelay $0x3  }
0x98: {  	_ =	strace s5  }
0x99: {  	s5 =	sld [smem:$0x3FFC];
	_ =	sdelay $0x3  }
0x9a: {  	_ =	strace s5  }
0x9b: {  	s5 =	sld [smem:$0x3FFD];
	_ =	sdelay $0x3  }
0x9c: {  	_ =	strace s5  }
0x9d: {  	_ =	strace $0x8FFFFFFF  }
0x9e: {  	s19 =	sld [smem:$0x3FDB];
	_ =	sdelay $0x1  }
0x9f: {  	s6 =	simm.s32 $_scs_section_size  }
0xa0: {  	s7 =	simm.s32 $_size__tile_overlayer_lowered;
	s8 =	simm.s32 $_tile_overlayer_lowered  }
0xa1: {  	s22 =	simm.s32 $0x1BFF;
	s21 =	sshll.u32 s8, $0x1;
	s5 =	sadd.s32 s6, s19  }
0xa2: {  	s9 =	simm.s32 $0x0;
	s20 =	sshll.u32 s7, $0x1;
	s7 =	sadd.s32 s21, s5  }
0xa3: {  	[timem:s9], [sflag:s22] =	dma.local [hbm:s7], s20  }
0xa4: {  	_ =	swait.ge [sflag:s22], s20  }
0xa5: {  	s6 =	ssub.s32 $0x0, s20;
	[sflag:s22] =	ssyncset.done $0x0  }
0xa6: {  	[sflag:s22] =	ssyncadd.s32 s6;
	_ =	sdelay $0x1  }
0xa7: {  	s23 =	simm.s32 $0x1B8B  }
0xa8: {  	_ =	swait.ge [sflag:s23], $0x1  }
0xa9: {  	[sflag:s23] =	ssyncset.done $0x0  }
0xaa: {  	s25 =	simm.s32 $0x1B8E;
	s24 =	sld [smem:$0x3FFE];
	[sflag:s23] =	ssyncadd.s32 $0xFFFFFFFF  }
0xab: {  	s26 =	simm.s32 $execute0_lowered;
	[smem:$0x3FD2] =	sst s25  }
0xac: {  	s7 =	sshll.u32 s26, $0x1;
	_ =	strace $0x8000004F;
	[dreg:$0x1] =	wrdreg $0xFFFFFFFF  }
0xad: {  	s28 =	simm.s32 $_size_execute0_lowered;
	s5 =	sadd.s32 s5, s7;
	[dreg:$0x0] =	wrdreg $0x0  }
0xae: {  	s7 =	sshll.u32 s28, $0x1;
	[dreg:$0x2] =	wrdreg s5  }
0xaf: {  	[dreg:$0x3] =	wrdreg s7  }
0xb0: {  	[dreg:$0x4] =	wrdreg $0xC0  }
0xb1: {  	_ =	task [dreg:s9], $0x5FFFF  }
0xb2: {  	[dreg:$0x1] =	wrdreg $0xFFFFFFFF  }
0xb3: {  	[dreg:$0x0] =	wrdreg $0x60  }
0xb4: {  	[dreg:$0x2] =	wrdreg s18  }
0xb5: {  	[dreg:$0x3] =	wrdreg s16  }
0xb6: {  	[dreg:$0x4] =	wrdreg s17  }
0xb7: {  	[dreg:$0x5] =	wrdreg s24  }
0xb8: {  	[dreg:$0x6] =	wrdreg $0x90000  }
0xb9: {  	[dreg:$0x7] =	wrdreg $0x9  }
0xba: {  	_ =	task.clear_ibuf [dreg:s9], $0x8FFFF;
	_ =	strace $0x9000004F  }
0xbb: {  	s29 =	simm.s32 $0x9;
	_ =	strace $0x80000051  }
0xbc: {  	_ =	swait.ge [sflag:s29], $0x1  }
0xbd: {  	[sflag:s29] =	ssyncadd.s32 $0xFFFFFFFF  }
0xbe: {  	_ =	strace $0x90000051  }
0xbf: {  	_ =	sfence  }
0xc0: {  	s30 =	sld [smem:$0x0];
	_ =	sdelay $0x2  }
0xc1: {  	s31 =	sshll.u32 s1, $0xD;
	s1 =	sshrl.u32 s1, $0x2  }
0xc2: {  	s3 =	sand.u32 $0x4000, s31;
	s1 =	sadd.s32 s1, s30  }
0xc3: {  	s0 =	sor.u32 s3, s0;
	s1 =	sshll.u32 s1, $0x11  }
0xc4: {  	s0 =	sor.u32 s1, s0  }
0xc5: {  	s0 =	sadd.s32 $0x8F2B, s0  }
0xc6: {  	[sflag:s0] =	ssyncadd.remote.s32 $0x1  }
0xc7: {  	_ =	sfence.sel $0xFFFF  }
0xc8: {  	[dreg:$0x0] =	wrdreg $0xFFFFFFFF;
	(pc) =	sbr.abs _section_cstart, $3  }
0xc9: {  	[dreg:$0x1] =	wrdreg $0xFFFFFFFF  }
0xca: {  	_ =	task.clear_ibuf [dreg:s9], $0x2FFFF;
	_ =	strace $0x9FFFFFFF  }
0xcb: {  	(tm) =	ssettm $0x7FFFFFFF  }
tec
execute0_lowered:
.L_overlay_start_1:
0x0: {  	(tag) =	ssettag $0x1  }
0x1: {  	s6 =	rddreg [dreg:$0x0]  }
0x2: {  	s7 =	rddreg [dreg:$0x1]  }
0x3: {  	s1 =	rddreg [dreg:$0x2]  }
0x4: {  	s5 =	rddreg [dreg:$0x3]  }
0x5: {  	s2 =	rddreg [dreg:$0x4]  }
0x6: {  	s3 =	srdreg.scid;
	s0 =	rddreg [dreg:$0x5];
	s4 =	simm.s32 $0x0  }
0x7: {  	s15 =	simm.s32 $0x5000;
	s16 =	simm.s32 $0x1;
	s17 =	simm.s32 $0x2  }
0x8: {  	s18 =	simm.s32 $0x80;
	s8 =	sand.u32 $0x1, s3;
	s3 =	stileid.u32  }
0x9: {  	s19 =	simm.s32 $0x3;
	[smem:$0x7FF] =	sst s4;
	s9 =	smul.u32 $0x13C000, s8  }
0xa: {  	s22 =	simm.s32 $0x0;
	s10 =	smul.u32 $0x13C00, s3;
	_ =	strace $0x80000050  }
0xb: {  	s31 =	sshll.u32 s8, $0x4;
	s11 =	smul.u32 $0x4F000, s3;
	s8 =	ssub.s32 $0x2, s8  }
0xc: {  	s20 =	sshll.u32 s3, $0x6;
	s9 =	sadd.s32 s10, s9;
	s10 =	sor.u32 s3, s31  }
0xd: {  	s12 =	sshrl.u32 s8, $0x1;
	s20 =	sor.u32 $0x1C03, s20;
	s10 =	smul.u32 $0x500, s10  }
0xe: {  	s11 =	sshrl.u32 s11, $0x2;
	s14 =	ssub.s32 s8, s12;
	s9 =	sshrl.u32 s9, $0x3  }
0xf: {  	s13 =	sadd.s32 s9, s5;
	s5 =	sadd.s32 s11, s2;
	s6 =	sadd.s32 s6, s10  }
0x10: {  	s7 =	sadd.s32 s7, s10;
	s8 =	sadd.s32 $0x4000, s5;
	s9 =	sadd.s32 $0x8000, s5  }
0x11: {  	s10 =	sadd.s32 $0xC000, s5;
	s11 =	sadd.s32 $0x10000, s5;
	s12 =	sadd.s32 $0x4E00, s13  }
0x12: {  	v0 =	vimm.f32 $0.0e+00;
	s13 =	smax.u32 s14, $0x1;
	s14 =	simm.s32 $0x2800;
	s21 =	sshrl.u32 s5, $0x3  }
.LBB2_1:
0x13: {  	[tilespmem:s4], [sflag:$0x2] =	stream.linear.gather [hbm4b:s6+s4], $0x2800, $0x38;
	[tilespmem:$0x1CC00] =	vst v63  }
0x14: {  	s23 =	simm.s32 $0x0;
	s24 =	simm.s32 $0x200  }
0x15: {  	[tilespmem:s14], [sflag:$0x2] =	stream.linear.gather [hbm4b:s7+s4], $0x2800, $0x38;
	[tilespmem:$0x1CC00] =	vst v63  }
.LBB2_2:
0x16: {  	p0 =	sne.s32 s24, $0xFE00;
	[tilespmem:s23+$0x5070] =	vst v0  }
0x17: {  	[tilespmem:s23+$0x5000] =	vst v0  }
0x18: {  	[tilespmem:s23+$0x5010] =	vst v0  }
.Ltmp0:
0x19: {  	[tilespmem:s23+$0x5020] =	vst v0;
	(pc) =	sbr.rel @p0 .LBB2_2-.Ltmp0, $4  }
0x1a: {  	[tilespmem:s23+$0x5030] =	vst v0  }
0x1b: {  	[tilespmem:s23+$0x5040] =	vst v0  }
0x1c: {  	[tilespmem:s23+$0x5050] =	vst v0  }
0x1d: {  	[tilespmem:s23+$0x5060] =	vst v0;
	s23 =	sshra.s32 s24, $0x2;
	s24 =	sadd.s32 $0x200, s24  }
0x1e: {  	[tilespmem:s23+$0x5070] =	vst v0  }
0x1f: {  	[tilespmem:s23+$0x5000] =	vst v0  }
0x20: {  	[tilespmem:s23+$0x5010] =	vst v0  }
0x21: {  	[tilespmem:s23+$0x5020] =	vst v0  }
0x22: {  	[tilespmem:s23+$0x5030] =	vst v0  }
0x23: {  	[tilespmem:s23+$0x5040] =	vst v0  }
0x24: {  	[tilespmem:s23+$0x5050] =	vst v0  }
0x25: {  	[tilespmem:s23+$0x5060] =	vst v0  }
0x26: {  	[spmem:s5] =	stream.linear.scatter [tilespmem:s15], [sflag:$0x1], $0x4000, $0x38;
	[tilespmem:$0x1CC00] =	vst v63  }
0x27: {  	_ = 	snop  }
0x28: {  	[spmem:s8] =	stream.linear.scatter [tilespmem:s15], [sflag:$0x1], $0x4000, $0x38;
	[tilespmem:$0x1CC00] =	vst v63  }
0x29: {  	_ = 	snop  }
0x2a: {  	[spmem:s9] =	stream.linear.scatter [tilespmem:s15], [sflag:$0x1], $0x4000, $0x38;
	[tilespmem:$0x1CC00] =	vst v63  }
0x2b: {  	_ = 	snop  }
0x2c: {  	[spmem:s10] =	stream.linear.scatter [tilespmem:s15], [sflag:$0x1], $0x4000, $0x38;
	[tilespmem:$0x1CC00] =	vst v63  }
0x2d: {  	_ = 	snop  }
0x2e: {  	[spmem:s11] =	stream.linear.scatter [tilespmem:s15], [sflag:$0x1], $0x3C00, $0x38;
	[tilespmem:$0x1CC00] =	vst v63  }
0x2f: {  	_ =	swait.ge [sflag:s16], $0x4000  }
0x30: {  	[sflag:s16] =	ssyncset.done $0x0  }
0x31: {  	[sflag:s16] =	ssyncadd.s32 $0xFFFFC000  }
0x32: {  	_ =	swait.ge [sflag:s16], $0x4000  }
0x33: {  	[sflag:s16] =	ssyncset.done $0x0  }
0x34: {  	[sflag:s16] =	ssyncadd.s32 $0xFFFFC000  }
0x35: {  	_ =	swait.ge [sflag:s16], $0x4000  }
0x36: {  	[sflag:s16] =	ssyncset.done $0x0  }
0x37: {  	[sflag:s16] =	ssyncadd.s32 $0xFFFFC000  }
0x38: {  	_ =	swait.ge [sflag:s16], $0x4000  }
0x39: {  	[sflag:s16] =	ssyncset.done $0x0  }
0x3a: {  	[sflag:s16] =	ssyncadd.s32 $0xFFFFC000  }
0x3b: {  	_ =	swait.ge [sflag:s16], $0x3C00  }
0x3c: {  	[sflag:s16] =	ssyncset.done $0x0  }
0x3d: {  	[sflag:s16] =	ssyncadd.s32 $0xFFFFC400  }
0x3e: {  	_ =	swait.ge [sflag:s17], $0x2800  }
0x3f: {  	[sflag:s17] =	ssyncset.done $0x0  }
0x40: {  	[sflag:s17] =	ssyncadd.s32 $0xFFFFD800  }
0x41: {  	_ =	swait.ge [sflag:s17], $0x2800  }
0x42: {  	[sflag:s17] =	ssyncset.done $0x0  }
0x43: {  	[sflag:s17] =	ssyncadd.s32 $0xFFFFD800  }
0x44: {  	s30 =	simm.s32 $0x0;
	[bflag:$0x0] =	sbarrier.arrive $0xFFFF  }
0x45: {  	[tilespmem:s15], [sflag:$0x1] =	stream.indirect.gather [hbm4b:s1+s18], $0x80, s30, s18, $0xb8;
	[tilespmem:$0x1CC00] =	vst v63  }
0x46: {  	_ =	swait.ge [sflag:s16], $0x4000  }
0x47: {  	[sflag:s16] =	ssyncset.done $0x0  }
0x48: {  	s31 =	simm.s32 $0x2800;
	[sflag:s16] =	ssyncadd.s32 $0xFFFFC000  }
0x49: {  	[spmem:s2] =	stream.indirect.scatter.add.f32 [tilespmem:s15], [sflag:$0x3], $0x80, s31, s18, $0xb8;
	[tilespmem:$0x1CC00] =	vst v63  }
0x4a: {  	_ =	swait.ge [sflag:s19], $0x4000  }
0x4b: {  	s23 =	simm.s32 $0x200;
	s24 =	simm.s32 $0x400;
	[sflag:s19] =	ssyncset.done $0x0  }
.LBB2_4:
0x4c: {  	s25 =	sshra.s32 s23, $0x2  }
0x4d: {  	[sflag:s19] =	ssyncadd.s32 $0xFFFFC000;
	s23 =	smov.u32 s24;
	s26 =	sadd.s32 $0x200, s24  }
0x4e: {  	[tilespmem:s15], [sflag:$0x1] =	stream.indirect.gather [hbm4b:s1+s18], $0x80, s25, s18, $0xb8;
	[tilespmem:$0x1CC00] =	vst v63  }
0x4f: {  	p0 =	sne.s32 s24, $0x9E00;
	_ =	swait.ge [sflag:s16], $0x4000  }
.Ltmp1:
0x50: {  	[sflag:s16] =	ssyncset.done $0x0;
	(pc) =	sbr.rel @p0 .LBB2_4-.Ltmp1, $4  }
0x51: {  	s24 =	sadd.s32 $0x2800, s25;
	[sflag:s16] =	ssyncadd.s32 $0xFFFFC000  }
0x52: {  	[spmem:s2] =	stream.indirect.scatter.add.f32 [tilespmem:s15], [sflag:$0x3], $0x80, s24, s18, $0xb8;
	[tilespmem:$0x1CC00] =	vst v63  }
0x53: {  	_ =	swait.ge [sflag:s19], $0x4000  }
0x54: {  	s24 =	smov.u32 s26;
	[sflag:s19] =	ssyncset.done $0x0  }
0x55: {  	s23 =	sshra.s32 s23, $0x2;
	[sflag:s19] =	ssyncadd.s32 $0xFFFFC000  }
0x56: {  	[tilespmem:s15], [sflag:$0x1] =	stream.indirect.gather [hbm4b:s1+s18], $0x80, s23, s18, $0xb8;
	[tilespmem:$0x1CC00] =	vst v63  }
0x57: {  	_ =	swait.ge [sflag:s16], $0x4000  }
0x58: {  	[sflag:s16] =	ssyncset.done $0x0  }
0x59: {  	s23 =	sadd.s32 $0x2800, s23;
	[sflag:s16] =	ssyncadd.s32 $0xFFFFC000  }
0x5a: {  	[spmem:s2] =	stream.indirect.scatter.add.f32 [tilespmem:s15], [sflag:$0x3], $0x80, s23, s18, $0xb8;
	[tilespmem:$0x1CC00] =	vst v63  }
0x5b: {  	_ =	swait.ge [sflag:s19], $0x4000  }
0x5c: {  	s22 =	sadd.s32 $0x1, s22;
	[sflag:s19] =	ssyncset.done $0x0  }
0x5d: {  	p0 =	sne.s32 s22, s13;
	[sflag:s19] =	ssyncadd.s32 $0xFFFFC000  }
.Ltmp2:
0x5e: {  	[bflag:$0x0] =	sbarrier.arrive $0xFFFF;
	(pc) =	sbr.rel @p0 .LBB2_1-.Ltmp2, $4  }
0x5f: {  	[hbm:s12], [sflag:s20] =	dma.local [spmem:s21], $0x2780  }
0x60: {  	_ =	swait.ge [sflag:s19], $0x2780  }
0x61: {  	[sflag:s19] =	ssyncset.done $0x0  }
0x62: {  	[sflag:s19] =	ssyncadd.s32 $0xFFFFD880  }
0x63: {  	_ =	sfence.sel $0x180000  }
0x64: {  	[bflag:$0x0] =	sbarrier.arrive $0xFFFF  }
0x65: {  	p0 =	sne.s32 s3, $0x0;
	_ =	strace $0x90000050  }
0x66: {  	s0 =	sadd.s32 @!p0 $0x100000, s0;
	[bflag:$0x2] =	sbarrier.arrive $0xFFFF  }
0x67: {  	[sflag:s0] =	ssyncadd.tile.s32 @!p0 $0x1;
	_ =	shalt  }
.Lfunc_end2:
_tile_overlayer_lowered:
.L_overlay_start_2:
0x68: {  	(tag) =	ssettag $0x2  }
0x69: {  	s0 =	rddreg [dreg:$0x0];
	s2 =	stileid.u32  }
0x6a: {  	s1 =	rddreg [dreg:$0x1];
	p0 =	sne.s32 s2, $0x0  }
0x6b: {  	s3 =	rddreg [dreg:$0x2];
	[bflag:$0x3] =	sbarrier.arrive $0xFFFF;
	s2 =	simm.s32 @!p0 $0x1C03  }
0x6c: {  	[timem:s3], [sflag:s2] =	dma.local @!p0 [hbm:s0], s1  }
0x6d: {  	s0 =	simm.s32 @!p0 $0x3  }
0x6e: {  	_ =	swait.ge @!p0 [sflag:s0], s1  }
0x6f: {  	s1 =	ssub.s32 @!p0 $0x0, s1;
	[sflag:s0] =	ssyncset.done @!p0 $0x0  }
0x70: {  	[sflag:s0] =	ssyncadd.s32 @!p0 s1  }
0x71: {  	[bflag:$0x3] =	sbarrier.arrive $0xFFFF  }
0x72: {  	_ =	shalt  }

</sc_bundles>
